<compile_context>
chip_gen: v7x
topology: tpu7x:2x2x1
jax: 0.10.2.dev20260603
libtpu: 0.0.44.dev20260713+nightly
codegen_flags: <defaults>
</compile_context>

<pallas_src>
import functools

import jax
import jax.numpy as jnp
from jax import lax
from jax.experimental import pallas as pl
from jax.experimental.pallas import tpu as pltpu
from jax.experimental.pallas import tpu_sc as plsc

N = 10000
E = 320000
D = 128
DC = 64
NC = 2
NS = 16
NW = NC * NS
EPT = E // NW
CH = 128
NCHUNK = 79
EPT_PAD = NCHUNK * CH
ACC_ROWS = 10112
SLAB = ACC_ROWS // NS

_MESH = dict(core_axis_name="c", subcore_axis_name="s",
             num_cores=NC, num_subcores=NS)


def _make_sc_agg(F):

    @functools.partial(
        pl.kernel,
        out_type=jax.ShapeDtypeStruct((NC, ACC_ROWS, F), jnp.float32),
        mesh=plsc.VectorSubcoreMesh(**_MESH),
        compiler_params=pltpu.CompilerParams(
            use_tc_tiling_on_sc=(F % 128 == 0)),
        scratch_types=[
            pltpu.VMEM((NCHUNK, CH), jnp.int32),
            pltpu.VMEM((NCHUNK, CH), jnp.int32),
            pltpu.VMEM((CH, F), jnp.float32),
            pltpu.VMEM_SHARED((ACC_ROWS, F), jnp.float32),
            pltpu.SemaphoreType.DMA,
        ],
    )
    def agg(srcp, dstp, y, zeros, out, sidx, didx, gbuf, acc, sem):
        c = lax.axis_index("c")
        s = lax.axis_index("s")
        wid = c * NS + s
        pltpu.sync_copy(zeros, acc.at[pl.ds(s * SLAB, SLAB)])
        pltpu.sync_copy(srcp.at[wid], sidx)
        pltpu.sync_copy(dstp.at[wid], didx)
        plsc.subcore_barrier()

        def chunk(j, carry):
            pltpu.async_copy(y.at[sidx.at[j]], gbuf, sem).wait()
            pltpu.sync_copy(gbuf, acc.at[didx.at[j]], add=True)
            return carry

        lax.fori_loop(0, NCHUNK, chunk, 0)
        plsc.subcore_barrier()
        pltpu.sync_copy(acc.at[pl.ds(s * SLAB, SLAB)],
                        out.at[c, pl.ds(s * SLAB, SLAB)])

    return agg


_sc_agg_128 = _make_sc_agg(D)
_sc_agg_64 = _make_sc_agg(DC)


@functools.partial(
    pl.kernel,
    out_type=jax.ShapeDtypeStruct((NC, ACC_ROWS, 16), jnp.float32),
    mesh=plsc.VectorSubcoreMesh(**_MESH),
    compiler_params=pltpu.CompilerParams(use_tc_tiling_on_sc=False),
    scratch_types=[
        pltpu.VMEM((NCHUNK, CH), jnp.int32),
        pltpu.VMEM((CH, 16), jnp.float32),
        pltpu.VMEM_SHARED((ACC_ROWS, 16), jnp.float32),
    ],
)
def _sc_degree(dstp, ones, zeros, out, didx, ones_v, acc):
    c = lax.axis_index("c")
    s = lax.axis_index("s")
    wid = c * NS + s
    pltpu.sync_copy(zeros, acc.at[pl.ds(s * SLAB, SLAB)])
    pltpu.sync_copy(dstp.at[wid], didx)
    pltpu.sync_copy(ones, ones_v)
    plsc.subcore_barrier()

    def chunk(j, carry):
        pltpu.sync_copy(ones_v, acc.at[didx.at[j]], add=True)
        return carry

    lax.fori_loop(0, NCHUNK, chunk, 0)
    plsc.subcore_barrier()
    pltpu.sync_copy(acc.at[pl.ds(s * SLAB, SLAB)],
                    out.at[c, pl.ds(s * SLAB, SLAB)])



_RB = 1000


def _norm_y0_body(degp, feats, norm_o, y0_o):
    d = degp[0] + degp[1]
    n = lax.rsqrt(jnp.maximum(d[:, :1], 1.0))
    norm_o[...] = n
    y0_o[...] = feats[...] * n


def _tc_norm_y0(degp, feats):
    return pl.pallas_call(
        _norm_y0_body,
        grid=(N // _RB,),
        in_specs=[
            pl.BlockSpec((NC, _RB, 16), lambda i: (0, i, 0)),
            pl.BlockSpec((_RB, D), lambda i: (i, 0)),
        ],
        out_specs=[
            pl.BlockSpec((_RB, 1), lambda i: (i, 0)),
            pl.BlockSpec((_RB, D), lambda i: (i, 0)),
        ],
        out_shape=[
            jax.ShapeDtypeStruct((N, 1), jnp.float32),
            jax.ShapeDtypeStruct((N, D), jnp.float32),
        ],
    )(degp, feats)


def _layer_body(last, aggp, w, b, g, bln, norm, w2, *outs):
    u = aggp[0] + aggp[1]
    nb = norm[...]
    h = jnp.dot(u, w[...], preferred_element_type=jnp.float32) * nb + b[...]
    mu = jnp.mean(h, axis=-1, keepdims=True)
    xc = h - mu
    var = jnp.mean(xc * xc, axis=-1, keepdims=True)
    h = xc * lax.rsqrt(var + 1e-5) * g[...] + bln[...]
    y = jnp.maximum(h, 0.0) * nb
    if last:
        outs[0][...] = jnp.dot(y, w2[...], preferred_element_type=jnp.float32)
    else:
        outs[0][...] = y


def _tc_layer(aggp, w, b, g, bln, norm, w2, last):
    wspec = pl.BlockSpec((D, D), lambda i: (0, 0))
    rspec = pl.BlockSpec((1, D), lambda i: (0, 0))
    out_w = DC if last else D
    return pl.pallas_call(
        functools.partial(_layer_body, last),
        grid=(N // _RB,),
        in_specs=[
            pl.BlockSpec((NC, _RB, D), lambda i: (0, i, 0)),
            wspec, rspec, rspec, rspec,
            pl.BlockSpec((_RB, 1), lambda i: (i, 0)),
            pl.BlockSpec((D, DC), lambda i: (0, 0)),
        ],
        out_specs=[pl.BlockSpec((_RB, out_w), lambda i: (i, 0))],
        out_shape=[jax.ShapeDtypeStruct((N, out_w), jnp.float32)],
    )(aggp, w, b, g, bln, norm, w2)[0]


def _final_body(aggp, norm, b2, out):
    out[...] = (aggp[0] + aggp[1]) * norm[...] + b2[...]


def _tc_final(aggp, norm, b2):
    return pl.pallas_call(
        _final_body,
        grid=(N // _RB,),
        in_specs=[
            pl.BlockSpec((NC, _RB, DC), lambda i: (0, i, 0)),
            pl.BlockSpec((_RB, 1), lambda i: (i, 0)),
            pl.BlockSpec((1, DC), lambda i: (0, 0)),
        ],
        out_specs=pl.BlockSpec((_RB, DC), lambda i: (i, 0)),
        out_shape=jax.ShapeDtypeStruct((N, DC), jnp.float32),
    )(aggp, norm, b2)


def kernel(feats, edge_index, W0, b0, W1, b1, ln0_w, ln0_b, ln1_w, ln1_b, W2, b2):
    src = edge_index[0].astype(jnp.int32).reshape(NW, EPT)
    dst = edge_index[1].astype(jnp.int32).reshape(NW, EPT)
    pad = EPT_PAD - EPT
    srcp = jnp.pad(src, ((0, 0), (0, pad))).reshape(NW, NCHUNK, CH)
    dpad = N + (jnp.arange(pad, dtype=jnp.int32) % (ACC_ROWS - N))
    dstp = jnp.concatenate(
        [dst, jnp.broadcast_to(dpad, (NW, pad))], axis=1).reshape(
        NW, NCHUNK, CH)

    ones16 = jnp.ones((CH, 16), jnp.float32)
    z16 = jnp.zeros((SLAB, 16), jnp.float32)
    z128 = jnp.zeros((SLAB, D), jnp.float32)
    z64 = jnp.zeros((SLAB, DC), jnp.float32)

    degp = _sc_degree(dstp, ones16, z16)
    norm, y0 = _tc_norm_y0(degp, feats)

    b0r, b1r = b0.reshape(1, D), b1.reshape(1, D)
    g0, c0 = ln0_w.reshape(1, D), ln0_b.reshape(1, D)
    g1, c1 = ln1_w.reshape(1, D), ln1_b.reshape(1, D)
    b2r = b2.reshape(1, DC)

    u0 = _sc_agg_128(srcp, dstp, y0, z128)
    y1 = _tc_layer(u0, W0, b0r, g0, c0, norm, W2, last=False)
    u1 = _sc_agg_128(srcp, dstp, y1, z128)
    z = _tc_layer(u1, W1, b1r, g1, c1, norm, W2, last=True)
    u2 = _sc_agg_64(srcp, dstp, z, z64)
    return _tc_final(u2, norm, b2r)

# --- scband reference (transcript-rebuilt; emitter-appended) ---
"""Pipeline reference for scband-dist-gcn-74929999446102 (READ-ONLY COPY).

The authoritative reference and input builder live on the scoring server;
editing this copy changes nothing except your own understanding.
"""

import jax, jax.numpy as jnp
import numpy as np

N_NODES = 10000
N_EDGES = 320000
D_IN = 128
D_H = 128
N_CLASSES = 64


def setup_inputs(seed: int = 0) -> dict:
    key = jax.random.key(seed)
    ks = jax.random.split(key, 12)
    feats = jax.random.normal(ks[0], (N_NODES, D_IN), dtype=jnp.float32)
    edge_index = jax.random.randint(ks[1], (2, N_EDGES), 0, N_NODES, dtype=jnp.int64)
    W0 = jax.random.normal(ks[2], (D_IN, D_H), dtype=jnp.float32) * 0.05
    b0 = jnp.zeros((D_H,), dtype=jnp.float32)
    W1 = jax.random.normal(ks[3], (D_H, D_H), dtype=jnp.float32) * 0.05
    b1 = jnp.zeros((D_H,), dtype=jnp.float32)
    ln0_w = jnp.ones((D_H,), dtype=jnp.float32)
    ln0_b = jnp.zeros((D_H,), dtype=jnp.float32)
    ln1_w = jnp.ones((D_H,), dtype=jnp.float32)
    ln1_b = jnp.zeros((D_H,), dtype=jnp.float32)
    W2 = jax.random.normal(ks[4], (D_H, N_CLASSES), dtype=jnp.float32) * 0.05
    b2 = jnp.zeros((N_CLASSES,), dtype=jnp.float32)
    return {"feats": feats, "edge_index": edge_index,
            "W0": W0, "b0": b0, "W1": W1, "b1": b1,
            "ln0_w": ln0_w, "ln0_b": ln0_b, "ln1_w": ln1_w, "ln1_b": ln1_b,
            "W2": W2, "b2": b2}


def _gcn_agg(x, src, dst, norm):
    # symmetric-normalized GCN aggregation (distAggConv equivalent on a single shard)
    msgs = x[src] * norm[src][:, None] * norm[dst][:, None]
    return jax.ops.segment_sum(msgs, dst, num_segments=N_NODES)


def _layer_norm(x, g, b, eps=1e-5):
    mu = jnp.mean(x, axis=-1, keepdims=True)
    var = jnp.mean((x - mu) ** 2, axis=-1, keepdims=True)
    return (x - mu) / jnp.sqrt(var + eps) * g + b


def reference(feats, edge_index, W0, b0, W1, b1, ln0_w, ln0_b, ln1_w, ln1_b, W2, b2):
    src = edge_index[0]
    dst = edge_index[1]
    deg = jnp.bincount(dst, length=N_NODES).astype(jnp.float32)
    norm = 1.0 / jnp.sqrt(jnp.clip(deg, 1.0))
    # layer 0: conv -> (dropout p=0, eval) -> layernorm -> relu
    h = _gcn_agg(feats, src, dst, norm)
    h = jnp.matmul(h, W0) + b0
    h = _layer_norm(h, ln0_w, ln0_b)
    h = jnp.maximum(h, 0.0)
    # layer 1
    h = _gcn_agg(h, src, dst, norm)
    h = jnp.matmul(h, W1) + b1
    h = _layer_norm(h, ln1_w, ln1_b)
    h = jnp.maximum(h, 0.0)
    # final layer (no norm/activation)
    h = _gcn_agg(h, src, dst, norm)
    h = jnp.matmul(h, W2) + b2
    return h

if __name__ == "__main__":
    import jax
    _d = setup_inputs()
    print(jax.jit(kernel)(*tuple(_d.values())))

</pallas_src>

<mosaic_0001>
#map = affine_map<(d0, d1) -> (0, 0, 0)>
#map1 = affine_map<(d0, d1) -> (0, 0)>
module attributes {stable_mosaic.version = 14 : i64} {
  func.func @_sc_degree(%arg0: i32, %arg1: i32, %arg2: memref<32x79x128xi32, #tpu.memory_space<hbm>>, %arg3: memref<128x16xf32, #tpu.memory_space<hbm>>, %arg4: memref<632x16xf32, #tpu.memory_space<hbm>>, %arg5: memref<2x10112x16xf32, #tpu.memory_space<hbm>>, %arg6: memref<79x128xi32, #tpu.memory_space<vmem>>, %arg7: memref<128x16xf32, #tpu.memory_space<vmem>>, %arg8: memref<10112x16xf32, #tpu.memory_space<vmem_shared>>) attributes {dimension_semantics = [#tpu.dimension_semantics<core_parallel>, #tpu.dimension_semantics<subcore_parallel>], iteration_bounds = array<i64: 2, 16>, scalar_prefetch = 0 : i64, scratch_operands = 3 : i64, tpu.core_type = #tpu.core_type<sc_vector_subcore>, window_params = [{transform_indices = #map}, {transform_indices = #map1}, {transform_indices = #map1}, {transform_indices = #map}]} {
    %mul3A = arith.constant 16 : i32
    %mul3A_0 = arith.muli %arg0, %mul3A : i32
    %add3A = arith.addi %mul3A_0, %arg1 : i32
    %mul3A_1 = arith.constant 632 : i32
    %mul3A_2 = arith.muli %arg1, %mul3A_1 : i32
    "tpu.region"() ({
      %run_scoped3A = tpu.sem_alloc : memref<!tpu.dma_semaphore, #tpu.memory_space<semaphore_mem>>
      %dma_start3A = arith.constant 0 : i32
      %dma_start3A_13 = tpu.memref_slice %arg8[%mul3A_2, %dma_start3A] : memref<10112x16xf32, #tpu.memory_space<vmem_shared>> -> memref<632x16xf32, #tpu.memory_space<vmem_shared>>
      tpu.enqueue_dma source(%arg4 : memref<632x16xf32, #tpu.memory_space<hbm>>) target(%dma_start3A_13 : memref<632x16xf32, #tpu.memory_space<vmem_shared>>) target_semaphore(%run_scoped3A : memref<!tpu.dma_semaphore, #tpu.memory_space<semaphore_mem>>)
      %dma_wait3A = arith.constant 0 : i32
      %dma_wait3A_14 = tpu.memref_slice %arg8[%mul3A_2, %dma_wait3A] : memref<10112x16xf32, #tpu.memory_space<vmem_shared>> -> memref<632x16xf32, #tpu.memory_space<vmem_shared>>
      tpu.wait_dma2 semaphore(%run_scoped3A : memref<!tpu.dma_semaphore, #tpu.memory_space<semaphore_mem>>) src(%arg4 : memref<632x16xf32, #tpu.memory_space<hbm>>) dst(%dma_wait3A_14 : memref<632x16xf32, #tpu.memory_space<vmem_shared>>)
      tpu.yield
    }) : () -> ()
    "tpu.region"() ({
      %run_scoped3A = tpu.sem_alloc : memref<!tpu.dma_semaphore, #tpu.memory_space<semaphore_mem>>
      %dma_start3A = arith.constant 0 : i32
      %dma_start3A_13 = arith.constant 0 : i32
      %dma_start3A_14 = tpu.memref_slice %arg2[%add3A, %dma_start3A, %dma_start3A_13] : memref<32x79x128xi32, #tpu.memory_space<hbm>> -> memref<1x79x128xi32, #tpu.memory_space<hbm>>
      %dma_start3A_15 = tpu.memref_squeeze %dma_start3A_14 : memref<1x79x128xi32, #tpu.memory_space<hbm>> -> memref<79x128xi32, #tpu.memory_space<hbm>>
      %dma_start3A_16 = arith.constant 0 : i32
      %dma_start3A_17 = arith.constant 0 : i32
      %dma_start3A_18 = tpu.memref_slice %arg2[%add3A, %dma_start3A_16, %dma_start3A_17] : memref<32x79x128xi32, #tpu.memory_space<hbm>> -> memref<1x79x128xi32, #tpu.memory_space<hbm>>
      %dma_start3A_19 = tpu.memref_squeeze %dma_start3A_18 : memref<1x79x128xi32, #tpu.memory_space<hbm>> -> memref<79x128xi32, #tpu.memory_space<hbm>>
      tpu.enqueue_dma source(%dma_start3A_19 : memref<79x128xi32, #tpu.memory_space<hbm>>) target(%arg6 : memref<79x128xi32, #tpu.memory_space<vmem>>) target_semaphore(%run_scoped3A : memref<!tpu.dma_semaphore, #tpu.memory_space<semaphore_mem>>)
      %dma_wait3A = arith.constant 0 : i32
      %dma_wait3A_20 = arith.constant 0 : i32
      %dma_wait3A_21 = tpu.memref_slice %arg2[%add3A, %dma_wait3A, %dma_wait3A_20] : memref<32x79x128xi32, #tpu.memory_space<hbm>> -> memref<1x79x128xi32, #tpu.memory_space<hbm>>
      %dma_wait3A_22 = tpu.memref_squeeze %dma_wait3A_21 : memref<1x79x128xi32, #tpu.memory_space<hbm>> -> memref<79x128xi32, #tpu.memory_space<hbm>>
      %dma_wait3A_23 = arith.constant 0 : i32
      %dma_wait3A_24 = arith.constant 0 : i32
      %dma_wait3A_25 = tpu.memref_slice %arg2[%add3A, %dma_wait3A_23, %dma_wait3A_24] : memref<32x79x128xi32, #tpu.memory_space<hbm>> -> memref<1x79x128xi32, #tpu.memory_space<hbm>>
      %dma_wait3A_26 = tpu.memref_squeeze %dma_wait3A_25 : memref<1x79x128xi32, #tpu.memory_space<hbm>> -> memref<79x128xi32, #tpu.memory_space<hbm>>
      tpu.wait_dma2 semaphore(%run_scoped3A : memref<!tpu.dma_semaphore, #tpu.memory_space<semaphore_mem>>) src(%dma_wait3A_26 : memref<79x128xi32, #tpu.memory_space<hbm>>) dst(%arg6 : memref<79x128xi32, #tpu.memory_space<vmem>>)
      tpu.yield
    }) : () -> ()
    "tpu.region"() ({
      %run_scoped3A = tpu.sem_alloc : memref<!tpu.dma_semaphore, #tpu.memory_space<semaphore_mem>>
      tpu.enqueue_dma source(%arg3 : memref<128x16xf32, #tpu.memory_space<hbm>>) target(%arg7 : memref<128x16xf32, #tpu.memory_space<vmem>>) target_semaphore(%run_scoped3A : memref<!tpu.dma_semaphore, #tpu.memory_space<semaphore_mem>>)
      tpu.wait_dma2 semaphore(%run_scoped3A : memref<!tpu.dma_semaphore, #tpu.memory_space<semaphore_mem>>) src(%arg3 : memref<128x16xf32, #tpu.memory_space<hbm>>) dst(%arg7 : memref<128x16xf32, #tpu.memory_space<vmem>>)
      tpu.yield
    }) : () -> ()
    %barrier3A = arith.constant 0 : index
    tpu.barrier barrier_id(%barrier3A)
    %scan3A = arith.constant 0 : i32
    %scan3A_3 = arith.constant 0 : i32
    %scan3A_4 = arith.constant 79 : i32
    %scan3A_5 = arith.addi %scan3A_3, %scan3A_4 : i32
    %scan3A_6 = arith.constant 1 : i32
    scf.for %scan3A_13 = %scan3A_3 to %scan3A_5 step %scan3A_6  : i32 {
      "tpu.region"() ({
        %run_scoped3A = tpu.sem_alloc : memref<!tpu.dma_semaphore, #tpu.memory_space<semaphore_mem>>
        %dma_start3A = arith.constant 0 : i32
        %dma_start3A_14 = tpu.memref_slice %arg6[%scan3A_13, %dma_start3A] : memref<79x128xi32, #tpu.memory_space<vmem>> -> memref<1x128xi32, #tpu.memory_space<vmem>>
        %dma_start3A_15 = tpu.memref_squeeze %dma_start3A_14 : memref<1x128xi32, #tpu.memory_space<vmem>> -> memref<128xi32, #tpu.memory_space<vmem>>
        %dma_start3A_16 = arith.constant 0 : i32
        %dma_start3A_17 = arith.constant 0 : i32
        %dma_start3A_18 = tpu.memref_slice %arg8[%dma_start3A_16, %dma_start3A_17] : memref<10112x16xf32, #tpu.memory_space<vmem_shared>> -> memref<10112x16xf32, #tpu.memory_space<vmem_shared>>
        tpu.enqueue_indirect_dma source(%arg7 : memref<128x16xf32, #tpu.memory_space<vmem>>) target(%dma_start3A_18 : memref<10112x16xf32, #tpu.memory_space<vmem_shared>>) offsets(%dma_start3A_15 : memref<128xi32, #tpu.memory_space<vmem>>) semaphore(%run_scoped3A : memref<!tpu.dma_semaphore, #tpu.memory_space<semaphore_mem>>) {add = true}
        %dma_wait3A = arith.constant 0 : i32
        %dma_wait3A_19 = tpu.memref_slice %arg6[%scan3A_13, %dma_wait3A] : memref<79x128xi32, #tpu.memory_space<vmem>> -> memref<1x128xi32, #tpu.memory_space<vmem>>
        %dma_wait3A_20 = tpu.memref_squeeze %dma_wait3A_19 : memref<1x128xi32, #tpu.memory_space<vmem>> -> memref<128xi32, #tpu.memory_space<vmem>>
        %dma_wait3A_21 = arith.constant 0 : i32
        %dma_wait3A_22 = arith.constant 0 : i32
        %dma_wait3A_23 = tpu.memref_slice %arg8[%dma_wait3A_21, %dma_wait3A_22] : memref<10112x16xf32, #tpu.memory_space<vmem_shared>> -> memref<10112x16xf32, #tpu.memory_space<vmem_shared>>
        tpu.wait_indirect_dma semaphore(%run_scoped3A : memref<!tpu.dma_semaphore, #tpu.memory_space<semaphore_mem>>) src(%arg7 : memref<128x16xf32, #tpu.memory_space<vmem>>) dst(%dma_wait3A_23 : memref<10112x16xf32, #tpu.memory_space<vmem_shared>>)
        tpu.yield
      }) : () -> ()
    }
    %scan3A_7 = arith.constant 79 : i32
    %barrier3A_8 = arith.constant 0 : index
    tpu.barrier barrier_id(%barrier3A_8)
    %mul3A_9 = arith.constant 632 : i32
    %mul3A_10 = arith.muli %arg1, %mul3A_9 : i32
    %mul3A_11 = arith.constant 632 : i32
    %mul3A_12 = arith.muli %arg1, %mul3A_11 : i32
    "tpu.region"() ({
      %run_scoped3A = tpu.sem_alloc : memref<!tpu.dma_semaphore, #tpu.memory_space<semaphore_mem>>
      %dma_start3A = arith.constant 0 : i32
      %dma_start3A_13 = tpu.memref_slice %arg5[%arg0, %mul3A_12, %dma_start3A] : memref<2x10112x16xf32, #tpu.memory_space<hbm>> -> memref<1x632x16xf32, #tpu.memory_space<hbm>>
      %dma_start3A_14 = tpu.memref_squeeze %dma_start3A_13 : memref<1x632x16xf32, #tpu.memory_space<hbm>> -> memref<632x16xf32, #tpu.memory_space<hbm>>
      %dma_start3A_15 = arith.constant 0 : i32
      %dma_start3A_16 = tpu.memref_slice %arg8[%mul3A_10, %dma_start3A_15] : memref<10112x16xf32, #tpu.memory_space<vmem_shared>> -> memref<632x16xf32, #tpu.memory_space<vmem_shared>>
      tpu.enqueue_dma source(%dma_start3A_16 : memref<632x16xf32, #tpu.memory_space<vmem_shared>>) target(%dma_start3A_14 : memref<632x16xf32, #tpu.memory_space<hbm>>) target_semaphore(%run_scoped3A : memref<!tpu.dma_semaphore, #tpu.memory_space<semaphore_mem>>)
      %dma_wait3A = arith.constant 0 : i32
      %dma_wait3A_17 = tpu.memref_slice %arg5[%arg0, %mul3A_12, %dma_wait3A] : memref<2x10112x16xf32, #tpu.memory_space<hbm>> -> memref<1x632x16xf32, #tpu.memory_space<hbm>>
      %dma_wait3A_18 = tpu.memref_squeeze %dma_wait3A_17 : memref<1x632x16xf32, #tpu.memory_space<hbm>> -> memref<632x16xf32, #tpu.memory_space<hbm>>
      %dma_wait3A_19 = arith.constant 0 : i32
      %dma_wait3A_20 = tpu.memref_slice %arg8[%mul3A_10, %dma_wait3A_19] : memref<10112x16xf32, #tpu.memory_space<vmem_shared>> -> memref<632x16xf32, #tpu.memory_space<vmem_shared>>
      tpu.wait_dma2 semaphore(%run_scoped3A : memref<!tpu.dma_semaphore, #tpu.memory_space<semaphore_mem>>) src(%dma_wait3A_20 : memref<632x16xf32, #tpu.memory_space<vmem_shared>>) dst(%dma_wait3A_18 : memref<632x16xf32, #tpu.memory_space<hbm>>)
      tpu.yield
    }) : () -> ()
    return
  }
}

#map = affine_map<(d0, d1) -> (0, 0, 0)>
#map1 = affine_map<(d0, d1) -> (0, 0)>
module attributes {stable_mosaic.version = 14 : i64} {
  func.func @agg(%arg0: i32, %arg1: i32, %arg2: memref<32x79x128xi32, #tpu.memory_space<hbm>>, %arg3: memref<32x79x128xi32, #tpu.memory_space<hbm>>, %arg4: memref<10000x128xf32, #tpu.memory_space<hbm>>, %arg5: memref<632x128xf32, #tpu.memory_space<hbm>>, %arg6: memref<2x10112x128xf32, #tpu.memory_space<hbm>>, %arg7: memref<79x128xi32, #tpu.memory_space<vmem>>, %arg8: memref<79x128xi32, #tpu.memory_space<vmem>>, %arg9: memref<128x128xf32, #tpu.memory_space<vmem>>, %arg10: memref<10112x128xf32, #tpu.memory_space<vmem_shared>>, %arg11: memref<!tpu.dma_semaphore, #tpu.memory_space<semaphore_mem>>) attributes {dimension_semantics = [#tpu.dimension_semantics<core_parallel>, #tpu.dimension_semantics<subcore_parallel>], iteration_bounds = array<i64: 2, 16>, scalar_prefetch = 0 : i64, scratch_operands = 5 : i64, tpu.core_type = #tpu.core_type<sc_vector_subcore>, window_params = [{transform_indices = #map}, {transform_indices = #map}, {transform_indices = #map1}, {transform_indices = #map1}, {transform_indices = #map}]} {
    %mul3A = arith.constant 16 : i32
    %mul3A_0 = arith.muli %arg0, %mul3A : i32
    %add3A = arith.addi %mul3A_0, %arg1 : i32
    %mul3A_1 = arith.constant 632 : i32
    %mul3A_2 = arith.muli %arg1, %mul3A_1 : i32
    "tpu.region"() ({
      %run_scoped3A = tpu.sem_alloc : memref<!tpu.dma_semaphore, #tpu.memory_space<semaphore_mem>>
      %dma_start3A = arith.constant 0 : i32
      %dma_start3A_13 = tpu.memref_slice %arg10[%mul3A_2, %dma_start3A] : memref<10112x128xf32, #tpu.memory_space<vmem_shared>> -> memref<632x128xf32, #tpu.memory_space<vmem_shared>>
      tpu.enqueue_dma source(%arg5 : memref<632x128xf32, #tpu.memory_space<hbm>>) target(%dma_start3A_13 : memref<632x128xf32, #tpu.memory_space<vmem_shared>>) target_semaphore(%run_scoped3A : memref<!tpu.dma_semaphore, #tpu.memory_space<semaphore_mem>>)
      %dma_wait3A = arith.constant 0 : i32
      %dma_wait3A_14 = tpu.memref_slice %arg10[%mul3A_2, %dma_wait3A] : memref<10112x128xf32, #tpu.memory_space<vmem_shared>> -> memref<632x128xf32, #tpu.memory_space<vmem_shared>>
      tpu.wait_dma2 semaphore(%run_scoped3A : memref<!tpu.dma_semaphore, #tpu.memory_space<semaphore_mem>>) src(%arg5 : memref<632x128xf32, #tpu.memory_space<hbm>>) dst(%dma_wait3A_14 : memref<632x128xf32, #tpu.memory_space<vmem_shared>>)
      tpu.yield
    }) : () -> ()
    "tpu.region"() ({
      %run_scoped3A = tpu.sem_alloc : memref<!tpu.dma_semaphore, #tpu.memory_space<semaphore_mem>>
      %dma_start3A = arith.constant 0 : i32
      %dma_start3A_13 = arith.constant 0 : i32
      %dma_start3A_14 = tpu.memref_slice %arg2[%add3A, %dma_start3A, %dma_start3A_13] : memref<32x79x128xi32, #tpu.memory_space<hbm>> -> memref<1x79x128xi32, #tpu.memory_space<hbm>>
      %dma_start3A_15 = tpu.memref_squeeze %dma_start3A_14 : memref<1x79x128xi32, #tpu.memory_space<hbm>> -> memref<79x128xi32, #tpu.memory_space<hbm>>
      %dma_start3A_16 = arith.constant 0 : i32
      %dma_start3A_17 = arith.constant 0 : i32
      %dma_start3A_18 = tpu.memref_slice %arg2[%add3A, %dma_start3A_16, %dma_start3A_17] : memref<32x79x128xi32, #tpu.memory_space<hbm>> -> memref<1x79x128xi32, #tpu.memory_space<hbm>>
      %dma_start3A_19 = tpu.memref_squeeze %dma_start3A_18 : memref<1x79x128xi32, #tpu.memory_space<hbm>> -> memref<79x128xi32, #tpu.memory_space<hbm>>
      tpu.enqueue_dma source(%dma_start3A_19 : memref<79x128xi32, #tpu.memory_space<hbm>>) target(%arg7 : memref<79x128xi32, #tpu.memory_space<vmem>>) target_semaphore(%run_scoped3A : memref<!tpu.dma_semaphore, #tpu.memory_space<semaphore_mem>>)
      %dma_wait3A = arith.constant 0 : i32
      %dma_wait3A_20 = arith.constant 0 : i32
      %dma_wait3A_21 = tpu.memref_slice %arg2[%add3A, %dma_wait3A, %dma_wait3A_20] : memref<32x79x128xi32, #tpu.memory_space<hbm>> -> memref<1x79x128xi32, #tpu.memory_space<hbm>>
      %dma_wait3A_22 = tpu.memref_squeeze %dma_wait3A_21 : memref<1x79x128xi32, #tpu.memory_space<hbm>> -> memref<79x128xi32, #tpu.memory_space<hbm>>
      %dma_wait3A_23 = arith.constant 0 : i32
      %dma_wait3A_24 = arith.constant 0 : i32
      %dma_wait3A_25 = tpu.memref_slice %arg2[%add3A, %dma_wait3A_23, %dma_wait3A_24] : memref<32x79x128xi32, #tpu.memory_space<hbm>> -> memref<1x79x128xi32, #tpu.memory_space<hbm>>
      %dma_wait3A_26 = tpu.memref_squeeze %dma_wait3A_25 : memref<1x79x128xi32, #tpu.memory_space<hbm>> -> memref<79x128xi32, #tpu.memory_space<hbm>>
      tpu.wait_dma2 semaphore(%run_scoped3A : memref<!tpu.dma_semaphore, #tpu.memory_space<semaphore_mem>>) src(%dma_wait3A_26 : memref<79x128xi32, #tpu.memory_space<hbm>>) dst(%arg7 : memref<79x128xi32, #tpu.memory_space<vmem>>)
      tpu.yield
    }) : () -> ()
    "tpu.region"() ({
      %run_scoped3A = tpu.sem_alloc : memref<!tpu.dma_semaphore, #tpu.memory_space<semaphore_mem>>
      %dma_start3A = arith.constant 0 : i32
      %dma_start3A_13 = arith.constant 0 : i32
      %dma_start3A_14 = tpu.memref_slice %arg3[%add3A, %dma_start3A, %dma_start3A_13] : memref<32x79x128xi32, #tpu.memory_space<hbm>> -> memref<1x79x128xi32, #tpu.memory_space<hbm>>
      %dma_start3A_15 = tpu.memref_squeeze %dma_start3A_14 : memref<1x79x128xi32, #tpu.memory_space<hbm>> -> memref<79x128xi32, #tpu.memory_space<hbm>>
      %dma_start3A_16 = arith.constant 0 : i32
      %dma_start3A_17 = arith.constant 0 : i32
      %dma_start3A_18 = tpu.memref_slice %arg3[%add3A, %dma_start3A_16, %dma_start3A_17] : memref<32x79x128xi32, #tpu.memory_space<hbm>> -> memref<1x79x128xi32, #tpu.memory_space<hbm>>
      %dma_start3A_19 = tpu.memref_squeeze %dma_start3A_18 : memref<1x79x128xi32, #tpu.memory_space<hbm>> -> memref<79x128xi32, #tpu.memory_space<hbm>>
      tpu.enqueue_dma source(%dma_start3A_19 : memref<79x128xi32, #tpu.memory_space<hbm>>) target(%arg8 : memref<79x128xi32, #tpu.memory_space<vmem>>) target_semaphore(%run_scoped3A : memref<!tpu.dma_semaphore, #tpu.memory_space<semaphore_mem>>)
      %dma_wait3A = arith.constant 0 : i32
      %dma_wait3A_20 = arith.constant 0 : i32
      %dma_wait3A_21 = tpu.memref_slice %arg3[%add3A, %dma_wait3A, %dma_wait3A_20] : memref<32x79x128xi32, #tpu.memory_space<hbm>> -> memref<1x79x128xi32, #tpu.memory_space<hbm>>
      %dma_wait3A_22 = tpu.memref_squeeze %dma_wait3A_21 : memref<1x79x128xi32, #tpu.memory_space<hbm>> -> memref<79x128xi32, #tpu.memory_space<hbm>>
      %dma_wait3A_23 = arith.constant 0 : i32
      %dma_wait3A_24 = arith.constant 0 : i32
      %dma_wait3A_25 = tpu.memref_slice %arg3[%add3A, %dma_wait3A_23, %dma_wait3A_24] : memref<32x79x128xi32, #tpu.memory_space<hbm>> -> memref<1x79x128xi32, #tpu.memory_space<hbm>>
      %dma_wait3A_26 = tpu.memref_squeeze %dma_wait3A_25 : memref<1x79x128xi32, #tpu.memory_space<hbm>> -> memref<79x128xi32, #tpu.memory_space<hbm>>
      tpu.wait_dma2 semaphore(%run_scoped3A : memref<!tpu.dma_semaphore, #tpu.memory_space<semaphore_mem>>) src(%dma_wait3A_26 : memref<79x128xi32, #tpu.memory_space<hbm>>) dst(%arg8 : memref<79x128xi32, #tpu.memory_space<vmem>>)
      tpu.yield
    }) : () -> ()
    %barrier3A = arith.constant 0 : index
    tpu.barrier barrier_id(%barrier3A)
    %scan3A = arith.constant 0 : i32
    %scan3A_3 = arith.constant 0 : i32
    %scan3A_4 = arith.constant 79 : i32
    %scan3A_5 = arith.addi %scan3A_3, %scan3A_4 : i32
    %scan3A_6 = arith.constant 1 : i32
    scf.for %scan3A_13 = %scan3A_3 to %scan3A_5 step %scan3A_6  : i32 {
      %dma_start3A = arith.constant 0 : i32
      %dma_start3A_14 = tpu.memref_slice %arg7[%scan3A_13, %dma_start3A] : memref<79x128xi32, #tpu.memory_space<vmem>> -> memref<1x128xi32, #tpu.memory_space<vmem>>
      %dma_start3A_15 = tpu.memref_squeeze %dma_start3A_14 : memref<1x128xi32, #tpu.memory_space<vmem>> -> memref<128xi32, #tpu.memory_space<vmem>>
      %dma_start3A_16 = arith.constant 0 : i32
      %dma_start3A_17 = arith.constant 0 : i32
      %dma_start3A_18 = tpu.memref_slice %arg4[%dma_start3A_16, %dma_start3A_17] : memref<10000x128xf32, #tpu.memory_space<hbm>> -> memref<10000x128xf32, #tpu.memory_space<hbm>>
      tpu.enqueue_indirect_dma source(%dma_start3A_18 : memref<10000x128xf32, #tpu.memory_space<hbm>>) target(%arg9 : memref<128x128xf32, #tpu.memory_space<vmem>>) offsets(%dma_start3A_15 : memref<128xi32, #tpu.memory_space<vmem>>) semaphore(%arg11 : memref<!tpu.dma_semaphore, #tpu.memory_space<semaphore_mem>>)
      %dma_wait3A = arith.constant 0 : i32
      %dma_wait3A_19 = tpu.memref_slice %arg7[%scan3A_13, %dma_wait3A] : memref<79x128xi32, #tpu.memory_space<vmem>> -> memref<1x128xi32, #tpu.memory_space<vmem>>
      %dma_wait3A_20 = tpu.memref_squeeze %dma_wait3A_19 : memref<1x128xi32, #tpu.memory_space<vmem>> -> memref<128xi32, #tpu.memory_space<vmem>>
      %dma_wait3A_21 = arith.constant 0 : i32
      %dma_wait3A_22 = arith.constant 0 : i32
      %dma_wait3A_23 = tpu.memref_slice %arg4[%dma_wait3A_21, %dma_wait3A_22] : memref<10000x128xf32, #tpu.memory_space<hbm>> -> memref<10000x128xf32, #tpu.memory_space<hbm>>
      tpu.wait_indirect_dma semaphore(%arg11 : memref<!tpu.dma_semaphore, #tpu.memory_space<semaphore_mem>>) src(%dma_wait3A_23 : memref<10000x128xf32, #tpu.memory_space<hbm>>) dst(%arg9 : memref<128x128xf32, #tpu.memory_space<vmem>>)
      "tpu.region"() ({
        %run_scoped3A = tpu.sem_alloc : memref<!tpu.dma_semaphore, #tpu.memory_space<semaphore_mem>>
        %dma_start3A_24 = arith.constant 0 : i32
        %dma_start3A_25 = tpu.memref_slice %arg8[%scan3A_13, %dma_start3A_24] : memref<79x128xi32, #tpu.memory_space<vmem>> -> memref<1x128xi32, #tpu.memory_space<vmem>>
        %dma_start3A_26 = tpu.memref_squeeze %dma_start3A_25 : memref<1x128xi32, #tpu.memory_space<vmem>> -> memref<128xi32, #tpu.memory_space<vmem>>
        %dma_start3A_27 = arith.constant 0 : i32
        %dma_start3A_28 = arith.constant 0 : i32
        %dma_start3A_29 = tpu.memref_slice %arg10[%dma_start3A_27, %dma_start3A_28] : memref<10112x128xf32, #tpu.memory_space<vmem_shared>> -> memref<10112x128xf32, #tpu.memory_space<vmem_shared>>
        tpu.enqueue_indirect_dma source(%arg9 : memref<128x128xf32, #tpu.memory_space<vmem>>) target(%dma_start3A_29 : memref<10112x128xf32, #tpu.memory_space<vmem_shared>>) offsets(%dma_start3A_26 : memref<128xi32, #tpu.memory_space<vmem>>) semaphore(%run_scoped3A : memref<!tpu.dma_semaphore, #tpu.memory_space<semaphore_mem>>) {add = true}
        %dma_wait3A_30 = arith.constant 0 : i32
        %dma_wait3A_31 = tpu.memref_slice %arg8[%scan3A_13, %dma_wait3A_30] : memref<79x128xi32, #tpu.memory_space<vmem>> -> memref<1x128xi32, #tpu.memory_space<vmem>>
        %dma_wait3A_32 = tpu.memref_squeeze %dma_wait3A_31 : memref<1x128xi32, #tpu.memory_space<vmem>> -> memref<128xi32, #tpu.memory_space<vmem>>
        %dma_wait3A_33 = arith.constant 0 : i32
        %dma_wait3A_34 = arith.constant 0 : i32
        %dma_wait3A_35 = tpu.memref_slice %arg10[%dma_wait3A_33, %dma_wait3A_34] : memref<10112x128xf32, #tpu.memory_space<vmem_shared>> -> memref<10112x128xf32, #tpu.memory_space<vmem_shared>>
        tpu.wait_indirect_dma semaphore(%run_scoped3A : memref<!tpu.dma_semaphore, #tpu.memory_space<semaphore_mem>>) src(%arg9 : memref<128x128xf32, #tpu.memory_space<vmem>>) dst(%dma_wait3A_35 : memref<10112x128xf32, #tpu.memory_space<vmem_shared>>)
        tpu.yield
      }) : () -> ()
    }
    %scan3A_7 = arith.constant 79 : i32
    %barrier3A_8 = arith.constant 0 : index
    tpu.barrier barrier_id(%barrier3A_8)
    %mul3A_9 = arith.constant 632 : i32
    %mul3A_10 = arith.muli %arg1, %mul3A_9 : i32
    %mul3A_11 = arith.constant 632 : i32
    %mul3A_12 = arith.muli %arg1, %mul3A_11 : i32
    "tpu.region"() ({
      %run_scoped3A = tpu.sem_alloc : memref<!tpu.dma_semaphore, #tpu.memory_space<semaphore_mem>>
      %dma_start3A = arith.constant 0 : i32
      %dma_start3A_13 = tpu.memref_slice %arg6[%arg0, %mul3A_12, %dma_start3A] : memref<2x10112x128xf32, #tpu.memory_space<hbm>> -> memref<1x632x128xf32, #tpu.memory_space<hbm>>
      %dma_start3A_14 = tpu.memref_squeeze %dma_start3A_13 : memref<1x632x128xf32, #tpu.memory_space<hbm>> -> memref<632x128xf32, #tpu.memory_space<hbm>>
      %dma_start3A_15 = arith.constant 0 : i32
      %dma_start3A_16 = tpu.memref_slice %arg10[%mul3A_10, %dma_start3A_15] : memref<10112x128xf32, #tpu.memory_space<vmem_shared>> -> memref<632x128xf32, #tpu.memory_space<vmem_shared>>
      tpu.enqueue_dma source(%dma_start3A_16 : memref<632x128xf32, #tpu.memory_space<vmem_shared>>) target(%dma_start3A_14 : memref<632x128xf32, #tpu.memory_space<hbm>>) target_semaphore(%run_scoped3A : memref<!tpu.dma_semaphore, #tpu.memory_space<semaphore_mem>>)
      %dma_wait3A = arith.constant 0 : i32
      %dma_wait3A_17 = tpu.memref_slice %arg6[%arg0, %mul3A_12, %dma_wait3A] : memref<2x10112x128xf32, #tpu.memory_space<hbm>> -> memref<1x632x128xf32, #tpu.memory_space<hbm>>
      %dma_wait3A_18 = tpu.memref_squeeze %dma_wait3A_17 : memref<1x632x128xf32, #tpu.memory_space<hbm>> -> memref<632x128xf32, #tpu.memory_space<hbm>>
      %dma_wait3A_19 = arith.constant 0 : i32
      %dma_wait3A_20 = tpu.memref_slice %arg10[%mul3A_10, %dma_wait3A_19] : memref<10112x128xf32, #tpu.memory_space<vmem_shared>> -> memref<632x128xf32, #tpu.memory_space<vmem_shared>>
      tpu.wait_dma2 semaphore(%run_scoped3A : memref<!tpu.dma_semaphore, #tpu.memory_space<semaphore_mem>>) src(%dma_wait3A_20 : memref<632x128xf32, #tpu.memory_space<vmem_shared>>) dst(%dma_wait3A_18 : memref<632x128xf32, #tpu.memory_space<hbm>>)
      tpu.yield
    }) : () -> ()
    return
  }
}

#map = affine_map<(d0, d1) -> (0, 0, 0)>
#map1 = affine_map<(d0, d1) -> (0, 0)>
module attributes {stable_mosaic.version = 14 : i64} {
  func.func @agg(%arg0: i32, %arg1: i32, %arg2: memref<32x79x128xi32, #tpu.memory_space<hbm>>, %arg3: memref<32x79x128xi32, #tpu.memory_space<hbm>>, %arg4: memref<10000x64xf32, #tpu.memory_space<hbm>>, %arg5: memref<632x64xf32, #tpu.memory_space<hbm>>, %arg6: memref<2x10112x64xf32, #tpu.memory_space<hbm>>, %arg7: memref<79x128xi32, #tpu.memory_space<vmem>>, %arg8: memref<79x128xi32, #tpu.memory_space<vmem>>, %arg9: memref<128x64xf32, #tpu.memory_space<vmem>>, %arg10: memref<10112x64xf32, #tpu.memory_space<vmem_shared>>, %arg11: memref<!tpu.dma_semaphore, #tpu.memory_space<semaphore_mem>>) attributes {dimension_semantics = [#tpu.dimension_semantics<core_parallel>, #tpu.dimension_semantics<subcore_parallel>], iteration_bounds = array<i64: 2, 16>, scalar_prefetch = 0 : i64, scratch_operands = 5 : i64, tpu.core_type = #tpu.core_type<sc_vector_subcore>, window_params = [{transform_indices = #map}, {transform_indices = #map}, {transform_indices = #map1}, {transform_indices = #map1}, {transform_indices = #map}]} {
    %mul3A = arith.constant 16 : i32
    %mul3A_0 = arith.muli %arg0, %mul3A : i32
    %add3A = arith.addi %mul3A_0, %arg1 : i32
    %mul3A_1 = arith.constant 632 : i32
    %mul3A_2 = arith.muli %arg1, %mul3A_1 : i32
    "tpu.region"() ({
      %run_scoped3A = tpu.sem_alloc : memref<!tpu.dma_semaphore, #tpu.memory_space<semaphore_mem>>
      %dma_start3A = arith.constant 0 : i32
      %dma_start3A_13 = tpu.memref_slice %arg10[%mul3A_2, %dma_start3A] : memref<10112x64xf32, #tpu.memory_space<vmem_shared>> -> memref<632x64xf32, #tpu.memory_space<vmem_shared>>
      tpu.enqueue_dma source(%arg5 : memref<632x64xf32, #tpu.memory_space<hbm>>) target(%dma_start3A_13 : memref<632x64xf32, #tpu.memory_space<vmem_shared>>) target_semaphore(%run_scoped3A : memref<!tpu.dma_semaphore, #tpu.memory_space<semaphore_mem>>)
      %dma_wait3A = arith.constant 0 : i32
      %dma_wait3A_14 = tpu.memref_slice %arg10[%mul3A_2, %dma_wait3A] : memref<10112x64xf32, #tpu.memory_space<vmem_shared>> -> memref<632x64xf32, #tpu.memory_space<vmem_shared>>
      tpu.wait_dma2 semaphore(%run_scoped3A : memref<!tpu.dma_semaphore, #tpu.memory_space<semaphore_mem>>) src(%arg5 : memref<632x64xf32, #tpu.memory_space<hbm>>) dst(%dma_wait3A_14 : memref<632x64xf32, #tpu.memory_space<vmem_shared>>)
      tpu.yield
    }) : () -> ()
    "tpu.region"() ({
      %run_scoped3A = tpu.sem_alloc : memref<!tpu.dma_semaphore, #tpu.memory_space<semaphore_mem>>
      %dma_start3A = arith.constant 0 : i32
      %dma_start3A_13 = arith.constant 0 : i32
      %dma_start3A_14 = tpu.memref_slice %arg2[%add3A, %dma_start3A, %dma_start3A_13] : memref<32x79x128xi32, #tpu.memory_space<hbm>> -> memref<1x79x128xi32, #tpu.memory_space<hbm>>
      %dma_start3A_15 = tpu.memref_squeeze %dma_start3A_14 : memref<1x79x128xi32, #tpu.memory_space<hbm>> -> memref<79x128xi32, #tpu.memory_space<hbm>>
      %dma_start3A_16 = arith.constant 0 : i32
      %dma_start3A_17 = arith.constant 0 : i32
      %dma_start3A_18 = tpu.memref_slice %arg2[%add3A, %dma_start3A_16, %dma_start3A_17] : memref<32x79x128xi32, #tpu.memory_space<hbm>> -> memref<1x79x128xi32, #tpu.memory_space<hbm>>
      %dma_start3A_19 = tpu.memref_squeeze %dma_start3A_18 : memref<1x79x128xi32, #tpu.memory_space<hbm>> -> memref<79x128xi32, #tpu.memory_space<hbm>>
      tpu.enqueue_dma source(%dma_start3A_19 : memref<79x128xi32, #tpu.memory_space<hbm>>) target(%arg7 : memref<79x128xi32, #tpu.memory_space<vmem>>) target_semaphore(%run_scoped3A : memref<!tpu.dma_semaphore, #tpu.memory_space<semaphore_mem>>)
      %dma_wait3A = arith.constant 0 : i32
      %dma_wait3A_20 = arith.constant 0 : i32
      %dma_wait3A_21 = tpu.memref_slice %arg2[%add3A, %dma_wait3A, %dma_wait3A_20] : memref<32x79x128xi32, #tpu.memory_space<hbm>> -> memref<1x79x128xi32, #tpu.memory_space<hbm>>
      %dma_wait3A_22 = tpu.memref_squeeze %dma_wait3A_21 : memref<1x79x128xi32, #tpu.memory_space<hbm>> -> memref<79x128xi32, #tpu.memory_space<hbm>>
      %dma_wait3A_23 = arith.constant 0 : i32
      %dma_wait3A_24 = arith.constant 0 : i32
      %dma_wait3A_25 = tpu.memref_slice %arg2[%add3A, %dma_wait3A_23, %dma_wait3A_24] : memref<32x79x128xi32, #tpu.memory_space<hbm>> -> memref<1x79x128xi32, #tpu.memory_space<hbm>>
      %dma_wait3A_26 = tpu.memref_squeeze %dma_wait3A_25 : memref<1x79x128xi32, #tpu.memory_space<hbm>> -> memref<79x128xi32, #tpu.memory_space<hbm>>
      tpu.wait_dma2 semaphore(%run_scoped3A : memref<!tpu.dma_semaphore, #tpu.memory_space<semaphore_mem>>) src(%dma_wait3A_26 : memref<79x128xi32, #tpu.memory_space<hbm>>) dst(%arg7 : memref<79x128xi32, #tpu.memory_space<vmem>>)
      tpu.yield
    }) : () -> ()
    "tpu.region"() ({
      %run_scoped3A = tpu.sem_alloc : memref<!tpu.dma_semaphore, #tpu.memory_space<semaphore_mem>>
      %dma_start3A = arith.constant 0 : i32
      %dma_start3A_13 = arith.constant 0 : i32
      %dma_start3A_14 = tpu.memref_slice %arg3[%add3A, %dma_start3A, %dma_start3A_13] : memref<32x79x128xi32, #tpu.memory_space<hbm>> -> memref<1x79x128xi32, #tpu.memory_space<hbm>>
      %dma_start3A_15 = tpu.memref_squeeze %dma_start3A_14 : memref<1x79x128xi32, #tpu.memory_space<hbm>> -> memref<79x128xi32, #tpu.memory_space<hbm>>
      %dma_start3A_16 = arith.constant 0 : i32
      %dma_start3A_17 = arith.constant 0 : i32
      %dma_start3A_18 = tpu.memref_slice %arg3[%add3A, %dma_start3A_16, %dma_start3A_17] : memref<32x79x128xi32, #tpu.memory_space<hbm>> -> memref<1x79x128xi32, #tpu.memory_space<hbm>>
      %dma_start3A_19 = tpu.memref_squeeze %dma_start3A_18 : memref<1x79x128xi32, #tpu.memory_space<hbm>> -> memref<79x128xi32, #tpu.memory_space<hbm>>
      tpu.enqueue_dma source(%dma_start3A_19 : memref<79x128xi32, #tpu.memory_space<hbm>>) target(%arg8 : memref<79x128xi32, #tpu.memory_space<vmem>>) target_semaphore(%run_scoped3A : memref<!tpu.dma_semaphore, #tpu.memory_space<semaphore_mem>>)
      %dma_wait3A = arith.constant 0 : i32
      %dma_wait3A_20 = arith.constant 0 : i32
      %dma_wait3A_21 = tpu.memref_slice %arg3[%add3A, %dma_wait3A, %dma_wait3A_20] : memref<32x79x128xi32, #tpu.memory_space<hbm>> -> memref<1x79x128xi32, #tpu.memory_space<hbm>>
      %dma_wait3A_22 = tpu.memref_squeeze %dma_wait3A_21 : memref<1x79x128xi32, #tpu.memory_space<hbm>> -> memref<79x128xi32, #tpu.memory_space<hbm>>
      %dma_wait3A_23 = arith.constant 0 : i32
      %dma_wait3A_24 = arith.constant 0 : i32
      %dma_wait3A_25 = tpu.memref_slice %arg3[%add3A, %dma_wait3A_23, %dma_wait3A_24] : memref<32x79x128xi32, #tpu.memory_space<hbm>> -> memref<1x79x128xi32, #tpu.memory_space<hbm>>
      %dma_wait3A_26 = tpu.memref_squeeze %dma_wait3A_25 : memref<1x79x128xi32, #tpu.memory_space<hbm>> -> memref<79x128xi32, #tpu.memory_space<hbm>>
      tpu.wait_dma2 semaphore(%run_scoped3A : memref<!tpu.dma_semaphore, #tpu.memory_space<semaphore_mem>>) src(%dma_wait3A_26 : memref<79x128xi32, #tpu.memory_space<hbm>>) dst(%arg8 : memref<79x128xi32, #tpu.memory_space<vmem>>)
      tpu.yield
    }) : () -> ()
    %barrier3A = arith.constant 0 : index
    tpu.barrier barrier_id(%barrier3A)
    %scan3A = arith.constant 0 : i32
    %scan3A_3 = arith.constant 0 : i32
    %scan3A_4 = arith.constant 79 : i32
    %scan3A_5 = arith.addi %scan3A_3, %scan3A_4 : i32
    %scan3A_6 = arith.constant 1 : i32
    scf.for %scan3A_13 = %scan3A_3 to %scan3A_5 step %scan3A_6  : i32 {
      %dma_start3A = arith.constant 0 : i32
      %dma_start3A_14 = tpu.memref_slice %arg7[%scan3A_13, %dma_start3A] : memref<79x128xi32, #tpu.memory_space<vmem>> -> memref<1x128xi32, #tpu.memory_space<vmem>>
      %dma_start3A_15 = tpu.memref_squeeze %dma_start3A_14 : memref<1x128xi32, #tpu.memory_space<vmem>> -> memref<128xi32, #tpu.memory_space<vmem>>
      %dma_start3A_16 = arith.constant 0 : i32
      %dma_start3A_17 = arith.constant 0 : i32
      %dma_start3A_18 = tpu.memref_slice %arg4[%dma_start3A_16, %dma_start3A_17] : memref<10000x64xf32, #tpu.memory_space<hbm>> -> memref<10000x64xf32, #tpu.memory_space<hbm>>
      tpu.enqueue_indirect_dma source(%dma_start3A_18 : memref<10000x64xf32, #tpu.memory_space<hbm>>) target(%arg9 : memref<128x64xf32, #tpu.memory_space<vmem>>) offsets(%dma_start3A_15 : memref<128xi32, #tpu.memory_space<vmem>>) semaphore(%arg11 : memref<!tpu.dma_semaphore, #tpu.memory_space<semaphore_mem>>)
      %dma_wait3A = arith.constant 0 : i32
      %dma_wait3A_19 = tpu.memref_slice %arg7[%scan3A_13, %dma_wait3A] : memref<79x128xi32, #tpu.memory_space<vmem>> -> memref<1x128xi32, #tpu.memory_space<vmem>>
      %dma_wait3A_20 = tpu.memref_squeeze %dma_wait3A_19 : memref<1x128xi32, #tpu.memory_space<vmem>> -> memref<128xi32, #tpu.memory_space<vmem>>
      %dma_wait3A_21 = arith.constant 0 : i32
      %dma_wait3A_22 = arith.constant 0 : i32
      %dma_wait3A_23 = tpu.memref_slice %arg4[%dma_wait3A_21, %dma_wait3A_22] : memref<10000x64xf32, #tpu.memory_space<hbm>> -> memref<10000x64xf32, #tpu.memory_space<hbm>>
      tpu.wait_indirect_dma semaphore(%arg11 : memref<!tpu.dma_semaphore, #tpu.memory_space<semaphore_mem>>) src(%dma_wait3A_23 : memref<10000x64xf32, #tpu.memory_space<hbm>>) dst(%arg9 : memref<128x64xf32, #tpu.memory_space<vmem>>)
      "tpu.region"() ({
        %run_scoped3A = tpu.sem_alloc : memref<!tpu.dma_semaphore, #tpu.memory_space<semaphore_mem>>
        %dma_start3A_24 = arith.constant 0 : i32
        %dma_start3A_25 = tpu.memref_slice %arg8[%scan3A_13, %dma_start3A_24] : memref<79x128xi32, #tpu.memory_space<vmem>> -> memref<1x128xi32, #tpu.memory_space<vmem>>
        %dma_start3A_26 = tpu.memref_squeeze %dma_start3A_25 : memref<1x128xi32, #tpu.memory_space<vmem>> -> memref<128xi32, #tpu.memory_space<vmem>>
        %dma_start3A_27 = arith.constant 0 : i32
        %dma_start3A_28 = arith.constant 0 : i32
        %dma_start3A_29 = tpu.memref_slice %arg10[%dma_start3A_27, %dma_start3A_28] : memref<10112x64xf32, #tpu.memory_space<vmem_shared>> -> memref<10112x64xf32, #tpu.memory_space<vmem_shared>>
        tpu.enqueue_indirect_dma source(%arg9 : memref<128x64xf32, #tpu.memory_space<vmem>>) target(%dma_start3A_29 : memref<10112x64xf32, #tpu.memory_space<vmem_shared>>) offsets(%dma_start3A_26 : memref<128xi32, #tpu.memory_space<vmem>>) semaphore(%run_scoped3A : memref<!tpu.dma_semaphore, #tpu.memory_space<semaphore_mem>>) {add = true}
        %dma_wait3A_30 = arith.constant 0 : i32
        %dma_wait3A_31 = tpu.memref_slice %arg8[%scan3A_13, %dma_wait3A_30] : memref<79x128xi32, #tpu.memory_space<vmem>> -> memref<1x128xi32, #tpu.memory_space<vmem>>
        %dma_wait3A_32 = tpu.memref_squeeze %dma_wait3A_31 : memref<1x128xi32, #tpu.memory_space<vmem>> -> memref<128xi32, #tpu.memory_space<vmem>>
        %dma_wait3A_33 = arith.constant 0 : i32
        %dma_wait3A_34 = arith.constant 0 : i32
        %dma_wait3A_35 = tpu.memref_slice %arg10[%dma_wait3A_33, %dma_wait3A_34] : memref<10112x64xf32, #tpu.memory_space<vmem_shared>> -> memref<10112x64xf32, #tpu.memory_space<vmem_shared>>
        tpu.wait_indirect_dma semaphore(%run_scoped3A : memref<!tpu.dma_semaphore, #tpu.memory_space<semaphore_mem>>) src(%arg9 : memref<128x64xf32, #tpu.memory_space<vmem>>) dst(%dma_wait3A_35 : memref<10112x64xf32, #tpu.memory_space<vmem_shared>>)
        tpu.yield
      }) : () -> ()
    }
    %scan3A_7 = arith.constant 79 : i32
    %barrier3A_8 = arith.constant 0 : index
    tpu.barrier barrier_id(%barrier3A_8)
    %mul3A_9 = arith.constant 632 : i32
    %mul3A_10 = arith.muli %arg1, %mul3A_9 : i32
    %mul3A_11 = arith.constant 632 : i32
    %mul3A_12 = arith.muli %arg1, %mul3A_11 : i32
    "tpu.region"() ({
      %run_scoped3A = tpu.sem_alloc : memref<!tpu.dma_semaphore, #tpu.memory_space<semaphore_mem>>
      %dma_start3A = arith.constant 0 : i32
      %dma_start3A_13 = tpu.memref_slice %arg6[%arg0, %mul3A_12, %dma_start3A] : memref<2x10112x64xf32, #tpu.memory_space<hbm>> -> memref<1x632x64xf32, #tpu.memory_space<hbm>>
      %dma_start3A_14 = tpu.memref_squeeze %dma_start3A_13 : memref<1x632x64xf32, #tpu.memory_space<hbm>> -> memref<632x64xf32, #tpu.memory_space<hbm>>
      %dma_start3A_15 = arith.constant 0 : i32
      %dma_start3A_16 = tpu.memref_slice %arg10[%mul3A_10, %dma_start3A_15] : memref<10112x64xf32, #tpu.memory_space<vmem_shared>> -> memref<632x64xf32, #tpu.memory_space<vmem_shared>>
      tpu.enqueue_dma source(%dma_start3A_16 : memref<632x64xf32, #tpu.memory_space<vmem_shared>>) target(%dma_start3A_14 : memref<632x64xf32, #tpu.memory_space<hbm>>) target_semaphore(%run_scoped3A : memref<!tpu.dma_semaphore, #tpu.memory_space<semaphore_mem>>)
      %dma_wait3A = arith.constant 0 : i32
      %dma_wait3A_17 = tpu.memref_slice %arg6[%arg0, %mul3A_12, %dma_wait3A] : memref<2x10112x64xf32, #tpu.memory_space<hbm>> -> memref<1x632x64xf32, #tpu.memory_space<hbm>>
      %dma_wait3A_18 = tpu.memref_squeeze %dma_wait3A_17 : memref<1x632x64xf32, #tpu.memory_space<hbm>> -> memref<632x64xf32, #tpu.memory_space<hbm>>
      %dma_wait3A_19 = arith.constant 0 : i32
      %dma_wait3A_20 = tpu.memref_slice %arg10[%mul3A_10, %dma_wait3A_19] : memref<10112x64xf32, #tpu.memory_space<vmem_shared>> -> memref<632x64xf32, #tpu.memory_space<vmem_shared>>
      tpu.wait_dma2 semaphore(%run_scoped3A : memref<!tpu.dma_semaphore, #tpu.memory_space<semaphore_mem>>) src(%dma_wait3A_20 : memref<632x64xf32, #tpu.memory_space<vmem_shared>>) dst(%dma_wait3A_18 : memref<632x64xf32, #tpu.memory_space<hbm>>)
      tpu.yield
    }) : () -> ()
    return
  }
}

#map = affine_map<(d0, d1) -> (0, 0, 0)>
#map1 = affine_map<(d0, d1) -> (0, 0)>
module attributes {stable_mosaic.version = 14 : i64} {
  func.func @agg(%arg0: i32, %arg1: i32, %arg2: memref<32x79x128xi32, #tpu.memory_space<hbm>>, %arg3: memref<32x79x128xi32, #tpu.memory_space<hbm>>, %arg4: memref<10000x128xf32, #tpu.memory_space<hbm>>, %arg5: memref<632x128xf32, #tpu.memory_space<hbm>>, %arg6: memref<2x10112x128xf32, #tpu.memory_space<hbm>>, %arg7: memref<79x128xi32, #tpu.memory_space<vmem>>, %arg8: memref<79x128xi32, #tpu.memory_space<vmem>>, %arg9: memref<128x128xf32, #tpu.memory_space<vmem>>, %arg10: memref<10112x128xf32, #tpu.memory_space<vmem_shared>>, %arg11: memref<!tpu.dma_semaphore, #tpu.memory_space<semaphore_mem>>) attributes {dimension_semantics = [#tpu.dimension_semantics<core_parallel>, #tpu.dimension_semantics<subcore_parallel>], iteration_bounds = array<i64: 2, 16>, scalar_prefetch = 0 : i64, scratch_operands = 5 : i64, tpu.core_type = #tpu.core_type<sc_vector_subcore>, window_params = [{transform_indices = #map}, {transform_indices = #map}, {transform_indices = #map1}, {transform_indices = #map1}, {transform_indices = #map}]} {
    %mul3A = arith.constant 16 : i32
    %mul3A_0 = arith.muli %arg0, %mul3A : i32
    %add3A = arith.addi %mul3A_0, %arg1 : i32
    %mul3A_1 = arith.constant 632 : i32
    %mul3A_2 = arith.muli %arg1, %mul3A_1 : i32
    "tpu.region"() ({
      %run_scoped3A = tpu.sem_alloc : memref<!tpu.dma_semaphore, #tpu.memory_space<semaphore_mem>>
      %dma_start3A = arith.constant 0 : i32
      %dma_start3A_13 = tpu.memref_slice %arg10[%mul3A_2, %dma_start3A] : memref<10112x128xf32, #tpu.memory_space<vmem_shared>> -> memref<632x128xf32, #tpu.memory_space<vmem_shared>>
      tpu.enqueue_dma source(%arg5 : memref<632x128xf32, #tpu.memory_space<hbm>>) target(%dma_start3A_13 : memref<632x128xf32, #tpu.memory_space<vmem_shared>>) target_semaphore(%run_scoped3A : memref<!tpu.dma_semaphore, #tpu.memory_space<semaphore_mem>>)
      %dma_wait3A = arith.constant 0 : i32
      %dma_wait3A_14 = tpu.memref_slice %arg10[%mul3A_2, %dma_wait3A] : memref<10112x128xf32, #tpu.memory_space<vmem_shared>> -> memref<632x128xf32, #tpu.memory_space<vmem_shared>>
      tpu.wait_dma2 semaphore(%run_scoped3A : memref<!tpu.dma_semaphore, #tpu.memory_space<semaphore_mem>>) src(%arg5 : memref<632x128xf32, #tpu.memory_space<hbm>>) dst(%dma_wait3A_14 : memref<632x128xf32, #tpu.memory_space<vmem_shared>>)
      tpu.yield
    }) : () -> ()
    "tpu.region"() ({
      %run_scoped3A = tpu.sem_alloc : memref<!tpu.dma_semaphore, #tpu.memory_space<semaphore_mem>>
      %dma_start3A = arith.constant 0 : i32
      %dma_start3A_13 = arith.constant 0 : i32
      %dma_start3A_14 = tpu.memref_slice %arg2[%add3A, %dma_start3A, %dma_start3A_13] : memref<32x79x128xi32, #tpu.memory_space<hbm>> -> memref<1x79x128xi32, #tpu.memory_space<hbm>>
      %dma_start3A_15 = tpu.memref_squeeze %dma_start3A_14 : memref<1x79x128xi32, #tpu.memory_space<hbm>> -> memref<79x128xi32, #tpu.memory_space<hbm>>
      %dma_start3A_16 = arith.constant 0 : i32
      %dma_start3A_17 = arith.constant 0 : i32
      %dma_start3A_18 = tpu.memref_slice %arg2[%add3A, %dma_start3A_16, %dma_start3A_17] : memref<32x79x128xi32, #tpu.memory_space<hbm>> -> memref<1x79x128xi32, #tpu.memory_space<hbm>>
      %dma_start3A_19 = tpu.memref_squeeze %dma_start3A_18 : memref<1x79x128xi32, #tpu.memory_space<hbm>> -> memref<79x128xi32, #tpu.memory_space<hbm>>
      tpu.enqueue_dma source(%dma_start3A_19 : memref<79x128xi32, #tpu.memory_space<hbm>>) target(%arg7 : memref<79x128xi32, #tpu.memory_space<vmem>>) target_semaphore(%run_scoped3A : memref<!tpu.dma_semaphore, #tpu.memory_space<semaphore_mem>>)
      %dma_wait3A = arith.constant 0 : i32
      %dma_wait3A_20 = arith.constant 0 : i32
      %dma_wait3A_21 = tpu.memref_slice %arg2[%add3A, %dma_wait3A, %dma_wait3A_20] : memref<32x79x128xi32, #tpu.memory_space<hbm>> -> memref<1x79x128xi32, #tpu.memory_space<hbm>>
      %dma_wait3A_22 = tpu.memref_squeeze %dma_wait3A_21 : memref<1x79x128xi32, #tpu.memory_space<hbm>> -> memref<79x128xi32, #tpu.memory_space<hbm>>
      %dma_wait3A_23 = arith.constant 0 : i32
      %dma_wait3A_24 = arith.constant 0 : i32
      %dma_wait3A_25 = tpu.memref_slice %arg2[%add3A, %dma_wait3A_23, %dma_wait3A_24] : memref<32x79x128xi32, #tpu.memory_space<hbm>> -> memref<1x79x128xi32, #tpu.memory_space<hbm>>
      %dma_wait3A_26 = tpu.memref_squeeze %dma_wait3A_25 : memref<1x79x128xi32, #tpu.memory_space<hbm>> -> memref<79x128xi32, #tpu.memory_space<hbm>>
      tpu.wait_dma2 semaphore(%run_scoped3A : memref<!tpu.dma_semaphore, #tpu.memory_space<semaphore_mem>>) src(%dma_wait3A_26 : memref<79x128xi32, #tpu.memory_space<hbm>>) dst(%arg7 : memref<79x128xi32, #tpu.memory_space<vmem>>)
      tpu.yield
    }) : () -> ()
    "tpu.region"() ({
      %run_scoped3A = tpu.sem_alloc : memref<!tpu.dma_semaphore, #tpu.memory_space<semaphore_mem>>
      %dma_start3A = arith.constant 0 : i32
      %dma_start3A_13 = arith.constant 0 : i32
      %dma_start3A_14 = tpu.memref_slice %arg3[%add3A, %dma_start3A, %dma_start3A_13] : memref<32x79x128xi32, #tpu.memory_space<hbm>> -> memref<1x79x128xi32, #tpu.memory_space<hbm>>
      %dma_start3A_15 = tpu.memref_squeeze %dma_start3A_14 : memref<1x79x128xi32, #tpu.memory_space<hbm>> -> memref<79x128xi32, #tpu.memory_space<hbm>>
      %dma_start3A_16 = arith.constant 0 : i32
      %dma_start3A_17 = arith.constant 0 : i32
      %dma_start3A_18 = tpu.memref_slice %arg3[%add3A, %dma_start3A_16, %dma_start3A_17] : memref<32x79x128xi32, #tpu.memory_space<hbm>> -> memref<1x79x128xi32, #tpu.memory_space<hbm>>
      %dma_start3A_19 = tpu.memref_squeeze %dma_start3A_18 : memref<1x79x128xi32, #tpu.memory_space<hbm>> -> memref<79x128xi32, #tpu.memory_space<hbm>>
      tpu.enqueue_dma source(%dma_start3A_19 : memref<79x128xi32, #tpu.memory_space<hbm>>) target(%arg8 : memref<79x128xi32, #tpu.memory_space<vmem>>) target_semaphore(%run_scoped3A : memref<!tpu.dma_semaphore, #tpu.memory_space<semaphore_mem>>)
      %dma_wait3A = arith.constant 0 : i32
      %dma_wait3A_20 = arith.constant 0 : i32
      %dma_wait3A_21 = tpu.memref_slice %arg3[%add3A, %dma_wait3A, %dma_wait3A_20] : memref<32x79x128xi32, #tpu.memory_space<hbm>> -> memref<1x79x128xi32, #tpu.memory_space<hbm>>
      %dma_wait3A_22 = tpu.memref_squeeze %dma_wait3A_21 : memref<1x79x128xi32, #tpu.memory_space<hbm>> -> memref<79x128xi32, #tpu.memory_space<hbm>>
      %dma_wait3A_23 = arith.constant 0 : i32
      %dma_wait3A_24 = arith.constant 0 : i32
      %dma_wait3A_25 = tpu.memref_slice %arg3[%add3A, %dma_wait3A_23, %dma_wait3A_24] : memref<32x79x128xi32, #tpu.memory_space<hbm>> -> memref<1x79x128xi32, #tpu.memory_space<hbm>>
      %dma_wait3A_26 = tpu.memref_squeeze %dma_wait3A_25 : memref<1x79x128xi32, #tpu.memory_space<hbm>> -> memref<79x128xi32, #tpu.memory_space<hbm>>
      tpu.wait_dma2 semaphore(%run_scoped3A : memref<!tpu.dma_semaphore, #tpu.memory_space<semaphore_mem>>) src(%dma_wait3A_26 : memref<79x128xi32, #tpu.memory_space<hbm>>) dst(%arg8 : memref<79x128xi32, #tpu.memory_space<vmem>>)
      tpu.yield
    }) : () -> ()
    %barrier3A = arith.constant 0 : index
    tpu.barrier barrier_id(%barrier3A)
    %scan3A = arith.constant 0 : i32
    %scan3A_3 = arith.constant 0 : i32
    %scan3A_4 = arith.constant 79 : i32
    %scan3A_5 = arith.addi %scan3A_3, %scan3A_4 : i32
    %scan3A_6 = arith.constant 1 : i32
    scf.for %scan3A_13 = %scan3A_3 to %scan3A_5 step %scan3A_6  : i32 {
      %dma_start3A = arith.constant 0 : i32
      %dma_start3A_14 = tpu.memref_slice %arg7[%scan3A_13, %dma_start3A] : memref<79x128xi32, #tpu.memory_space<vmem>> -> memref<1x128xi32, #tpu.memory_space<vmem>>
      %dma_start3A_15 = tpu.memref_squeeze %dma_start3A_14 : memref<1x128xi32, #tpu.memory_space<vmem>> -> memref<128xi32, #tpu.memory_space<vmem>>
      %dma_start3A_16 = arith.constant 0 : i32
      %dma_start3A_17 = arith.constant 0 : i32
      %dma_start3A_18 = tpu.memref_slice %arg4[%dma_start3A_16, %dma_start3A_17] : memref<10000x128xf32, #tpu.memory_space<hbm>> -> memref<10000x128xf32, #tpu.memory_space<hbm>>
      tpu.enqueue_indirect_dma source(%dma_start3A_18 : memref<10000x128xf32, #tpu.memory_space<hbm>>) target(%arg9 : memref<128x128xf32, #tpu.memory_space<vmem>>) offsets(%dma_start3A_15 : memref<128xi32, #tpu.memory_space<vmem>>) semaphore(%arg11 : memref<!tpu.dma_semaphore, #tpu.memory_space<semaphore_mem>>)
      %dma_wait3A = arith.constant 0 : i32
      %dma_wait3A_19 = tpu.memref_slice %arg7[%scan3A_13, %dma_wait3A] : memref<79x128xi32, #tpu.memory_space<vmem>> -> memref<1x128xi32, #tpu.memory_space<vmem>>
      %dma_wait3A_20 = tpu.memref_squeeze %dma_wait3A_19 : memref<1x128xi32, #tpu.memory_space<vmem>> -> memref<128xi32, #tpu.memory_space<vmem>>
      %dma_wait3A_21 = arith.constant 0 : i32
      %dma_wait3A_22 = arith.constant 0 : i32
      %dma_wait3A_23 = tpu.memref_slice %arg4[%dma_wait3A_21, %dma_wait3A_22] : memref<10000x128xf32, #tpu.memory_space<hbm>> -> memref<10000x128xf32, #tpu.memory_space<hbm>>
      tpu.wait_indirect_dma semaphore(%arg11 : memref<!tpu.dma_semaphore, #tpu.memory_space<semaphore_mem>>) src(%dma_wait3A_23 : memref<10000x128xf32, #tpu.memory_space<hbm>>) dst(%arg9 : memref<128x128xf32, #tpu.memory_space<vmem>>)
      "tpu.region"() ({
        %run_scoped3A = tpu.sem_alloc : memref<!tpu.dma_semaphore, #tpu.memory_space<semaphore_mem>>
        %dma_start3A_24 = arith.constant 0 : i32
        %dma_start3A_25 = tpu.memref_slice %arg8[%scan3A_13, %dma_start3A_24] : memref<79x128xi32, #tpu.memory_space<vmem>> -> memref<1x128xi32, #tpu.memory_space<vmem>>
        %dma_start3A_26 = tpu.memref_squeeze %dma_start3A_25 : memref<1x128xi32, #tpu.memory_space<vmem>> -> memref<128xi32, #tpu.memory_space<vmem>>
        %dma_start3A_27 = arith.constant 0 : i32
        %dma_start3A_28 = arith.constant 0 : i32
        %dma_start3A_29 = tpu.memref_slice %arg10[%dma_start3A_27, %dma_start3A_28] : memref<10112x128xf32, #tpu.memory_space<vmem_shared>> -> memref<10112x128xf32, #tpu.memory_space<vmem_shared>>
        tpu.enqueue_indirect_dma source(%arg9 : memref<128x128xf32, #tpu.memory_space<vmem>>) target(%dma_start3A_29 : memref<10112x128xf32, #tpu.memory_space<vmem_shared>>) offsets(%dma_start3A_26 : memref<128xi32, #tpu.memory_space<vmem>>) semaphore(%run_scoped3A : memref<!tpu.dma_semaphore, #tpu.memory_space<semaphore_mem>>) {add = true}
        %dma_wait3A_30 = arith.constant 0 : i32
        %dma_wait3A_31 = tpu.memref_slice %arg8[%scan3A_13, %dma_wait3A_30] : memref<79x128xi32, #tpu.memory_space<vmem>> -> memref<1x128xi32, #tpu.memory_space<vmem>>
        %dma_wait3A_32 = tpu.memref_squeeze %dma_wait3A_31 : memref<1x128xi32, #tpu.memory_space<vmem>> -> memref<128xi32, #tpu.memory_space<vmem>>
        %dma_wait3A_33 = arith.constant 0 : i32
        %dma_wait3A_34 = arith.constant 0 : i32
        %dma_wait3A_35 = tpu.memref_slice %arg10[%dma_wait3A_33, %dma_wait3A_34] : memref<10112x128xf32, #tpu.memory_space<vmem_shared>> -> memref<10112x128xf32, #tpu.memory_space<vmem_shared>>
        tpu.wait_indirect_dma semaphore(%run_scoped3A : memref<!tpu.dma_semaphore, #tpu.memory_space<semaphore_mem>>) src(%arg9 : memref<128x128xf32, #tpu.memory_space<vmem>>) dst(%dma_wait3A_35 : memref<10112x128xf32, #tpu.memory_space<vmem_shared>>)
        tpu.yield
      }) : () -> ()
    }
    %scan3A_7 = arith.constant 79 : i32
    %barrier3A_8 = arith.constant 0 : index
    tpu.barrier barrier_id(%barrier3A_8)
    %mul3A_9 = arith.constant 632 : i32
    %mul3A_10 = arith.muli %arg1, %mul3A_9 : i32
    %mul3A_11 = arith.constant 632 : i32
    %mul3A_12 = arith.muli %arg1, %mul3A_11 : i32
    "tpu.region"() ({
      %run_scoped3A = tpu.sem_alloc : memref<!tpu.dma_semaphore, #tpu.memory_space<semaphore_mem>>
      %dma_start3A = arith.constant 0 : i32
      %dma_start3A_13 = tpu.memref_slice %arg6[%arg0, %mul3A_12, %dma_start3A] : memref<2x10112x128xf32, #tpu.memory_space<hbm>> -> memref<1x632x128xf32, #tpu.memory_space<hbm>>
      %dma_start3A_14 = tpu.memref_squeeze %dma_start3A_13 : memref<1x632x128xf32, #tpu.memory_space<hbm>> -> memref<632x128xf32, #tpu.memory_space<hbm>>
      %dma_start3A_15 = arith.constant 0 : i32
      %dma_start3A_16 = tpu.memref_slice %arg10[%mul3A_10, %dma_start3A_15] : memref<10112x128xf32, #tpu.memory_space<vmem_shared>> -> memref<632x128xf32, #tpu.memory_space<vmem_shared>>
      tpu.enqueue_dma source(%dma_start3A_16 : memref<632x128xf32, #tpu.memory_space<vmem_shared>>) target(%dma_start3A_14 : memref<632x128xf32, #tpu.memory_space<hbm>>) target_semaphore(%run_scoped3A : memref<!tpu.dma_semaphore, #tpu.memory_space<semaphore_mem>>)
      %dma_wait3A = arith.constant 0 : i32
      %dma_wait3A_17 = tpu.memref_slice %arg6[%arg0, %mul3A_12, %dma_wait3A] : memref<2x10112x128xf32, #tpu.memory_space<hbm>> -> memref<1x632x128xf32, #tpu.memory_space<hbm>>
      %dma_wait3A_18 = tpu.memref_squeeze %dma_wait3A_17 : memref<1x632x128xf32, #tpu.memory_space<hbm>> -> memref<632x128xf32, #tpu.memory_space<hbm>>
      %dma_wait3A_19 = arith.constant 0 : i32
      %dma_wait3A_20 = tpu.memref_slice %arg10[%mul3A_10, %dma_wait3A_19] : memref<10112x128xf32, #tpu.memory_space<vmem_shared>> -> memref<632x128xf32, #tpu.memory_space<vmem_shared>>
      tpu.wait_dma2 semaphore(%run_scoped3A : memref<!tpu.dma_semaphore, #tpu.memory_space<semaphore_mem>>) src(%dma_wait3A_20 : memref<632x128xf32, #tpu.memory_space<vmem_shared>>) dst(%dma_wait3A_18 : memref<632x128xf32, #tpu.memory_space<hbm>>)
      tpu.yield
    }) : () -> ()
    return
  }
}

module attributes {stable_mosaic.version = 14 : i64} {
  func.func @_norm_y0_body(%arg0: i32, %arg1: memref<2x1000x16xf32, #tpu.memory_space<vmem>>, %arg2: memref<1000x128xf32, #tpu.memory_space<vmem>>, %arg3: memref<1000x1xf32, #tpu.memory_space<vmem>>, %arg4: memref<1000x128xf32, #tpu.memory_space<vmem>>) attributes {dimension_semantics = [#tpu.dimension_semantics<arbitrary>], iteration_bounds = array<i64: 10>, scalar_prefetch = 0 : i64, scratch_operands = 0 : i64, tpu.core_type = #tpu.core_type<tc>, window_params = [{transform_indices = @transform_0, window_bounds = array<i64: 2, 1000, 16>}, {transform_indices = @transform_1, window_bounds = array<i64: 1000, 128>}, {transform_indices = @transform_2, window_bounds = array<i64: 1000, 1>}, {transform_indices = @transform_3, window_bounds = array<i64: 1000, 128>}]} {
    %get3A = arith.constant 0 : index
    %get3A_0 = arith.constant 0 : index
    %get3A_1 = arith.constant 0 : index
    %get3A_2 = vector.load %arg1[%get3A, %get3A_0, %get3A_1] : memref<2x1000x16xf32, #tpu.memory_space<vmem>>, vector<1x1000x16xf32>
    %get3A_3 = vector.shape_cast %get3A_2 : vector<1x1000x16xf32> to vector<1000x16xf32>
    %get3A_4 = arith.constant 1 : index
    %get3A_5 = arith.constant 0 : index
    %get3A_6 = arith.constant 0 : index
    %get3A_7 = vector.load %arg1[%get3A_4, %get3A_5, %get3A_6] : memref<2x1000x16xf32, #tpu.memory_space<vmem>>, vector<1x1000x16xf32>
    %get3A_8 = vector.shape_cast %get3A_7 : vector<1x1000x16xf32> to vector<1000x16xf32>
    %add3A = arith.addf %get3A_3, %get3A_8 : vector<1000x16xf32>
    %slice3A = vector.extract_strided_slice %add3A {offsets = [0, 0], sizes = [1000, 1], strides = [1, 1]} : vector<1000x16xf32> to vector<1000x1xf32>
    %max3A = arith.constant 1.000000e+00 : f32
    %max3A_9 = vector.broadcast %max3A : f32 to vector<1000x1xf32>
    %max3A_10 = arith.maximumf %slice3A, %max3A_9 : vector<1000x1xf32>
    %rsqrt3A = math.rsqrt %max3A_10 : vector<1000x1xf32>
    %swap3A = arith.constant 0 : index
    %swap3A_11 = arith.constant 0 : index
    %swap3A_12 = vector.load %arg3[%swap3A, %swap3A_11] : memref<1000x1xf32, #tpu.memory_space<vmem>>, vector<1000x1xf32>
    tpu.vector_store %arg3[%swap3A, %swap3A_11], %rsqrt3A {strides = array<i32>} : memref<1000x1xf32, #tpu.memory_space<vmem>>, vector<1000x1xf32>,
    %get3A_13 = arith.constant 0 : index
    %get3A_14 = arith.constant 0 : index
    %get3A_15 = vector.load %arg2[%get3A_13, %get3A_14] : memref<1000x128xf32, #tpu.memory_space<vmem>>, vector<1000x128xf32>
    %mul3A = vector.broadcast %rsqrt3A : vector<1000x1xf32> to vector<1000x128xf32>
    %mul3A_16 = arith.mulf %get3A_15, %mul3A : vector<1000x128xf32>
    %swap3A_17 = arith.constant 0 : index
    %swap3A_18 = arith.constant 0 : index
    %swap3A_19 = vector.load %arg4[%swap3A_17, %swap3A_18] : memref<1000x128xf32, #tpu.memory_space<vmem>>, vector<1000x128xf32>
    tpu.vector_store %arg4[%swap3A_17, %swap3A_18], %mul3A_16 {strides = array<i32>} : memref<1000x128xf32, #tpu.memory_space<vmem>>, vector<1000x128xf32>,
    return
  }
  func.func @transform_0(%arg0: i32) -> (i32, i32, i32) {
    %c0_i32 = arith.constant 0 : i32
    %c0_i32_0 = arith.constant 0 : i32
    %c0_i32_1 = arith.constant 0 : i32
    return %c0_i32, %arg0, %c0_i32_0 : i32, i32, i32
  }
  func.func @transform_1(%arg0: i32) -> (i32, i32) {
    %c0_i32 = arith.constant 0 : i32
    %c0_i32_0 = arith.constant 0 : i32
    return %arg0, %c0_i32 : i32, i32
  }
  func.func @transform_2(%arg0: i32) -> (i32, i32) {
    %c0_i32 = arith.constant 0 : i32
    %c0_i32_0 = arith.constant 0 : i32
    return %arg0, %c0_i32 : i32, i32
  }
  func.func @transform_3(%arg0: i32) -> (i32, i32) {
    %c0_i32 = arith.constant 0 : i32
    %c0_i32_0 = arith.constant 0 : i32
    return %arg0, %c0_i32 : i32, i32
  }
}

module attributes {stable_mosaic.version = 14 : i64} {
  func.func @_layer_body(%arg0: i32, %arg1: memref<2x1000x128xf32, #tpu.memory_space<vmem>>, %arg2: memref<128x128xf32, #tpu.memory_space<vmem>>, %arg3: memref<1x128xf32, #tpu.memory_space<vmem>>, %arg4: memref<1x128xf32, #tpu.memory_space<vmem>>, %arg5: memref<1x128xf32, #tpu.memory_space<vmem>>, %arg6: memref<1000x1xf32, #tpu.memory_space<vmem>>, %arg7: memref<128x64xf32, #tpu.memory_space<vmem>>, %arg8: memref<1000x128xf32, #tpu.memory_space<vmem>>) attributes {dimension_semantics = [#tpu.dimension_semantics<arbitrary>], iteration_bounds = array<i64: 10>, scalar_prefetch = 0 : i64, scratch_operands = 0 : i64, tpu.core_type = #tpu.core_type<tc>, window_params = [{transform_indices = @transform_0, window_bounds = array<i64: 2, 1000, 128>}, {pipeline_mode = #tpu.pipeline_mode<synchronous>, transform_indices = @transform_1, window_bounds = array<i64: 128, 128>}, {pipeline_mode = #tpu.pipeline_mode<synchronous>, transform_indices = @transform_2, window_bounds = array<i64: 1, 128>}, {pipeline_mode = #tpu.pipeline_mode<synchronous>, transform_indices = @transform_3, window_bounds = array<i64: 1, 128>}, {pipeline_mode = #tpu.pipeline_mode<synchronous>, transform_indices = @transform_4, window_bounds = array<i64: 1, 128>}, {transform_indices = @transform_5, window_bounds = array<i64: 1000, 1>}, {pipeline_mode = #tpu.pipeline_mode<synchronous>, transform_indices = @transform_6, window_bounds = array<i64: 128, 64>}, {transform_indices = @transform_7, window_bounds = array<i64: 1000, 128>}]} {
    %get3A = arith.constant 0 : index
    %get3A_0 = arith.constant 0 : index
    %get3A_1 = arith.constant 0 : index
    %get3A_2 = vector.load %arg1[%get3A, %get3A_0, %get3A_1] : memref<2x1000x128xf32, #tpu.memory_space<vmem>>, vector<1x1000x128xf32>
    %get3A_3 = vector.shape_cast %get3A_2 : vector<1x1000x128xf32> to vector<1000x128xf32>
    %get3A_4 = arith.constant 1 : index
    %get3A_5 = arith.constant 0 : index
    %get3A_6 = arith.constant 0 : index
    %get3A_7 = vector.load %arg1[%get3A_4, %get3A_5, %get3A_6] : memref<2x1000x128xf32, #tpu.memory_space<vmem>>, vector<1x1000x128xf32>
    %get3A_8 = vector.shape_cast %get3A_7 : vector<1x1000x128xf32> to vector<1000x128xf32>
    %add3A = arith.addf %get3A_3, %get3A_8 : vector<1000x128xf32>
    %get3A_9 = arith.constant 0 : index
    %get3A_10 = arith.constant 0 : index
    %get3A_11 = vector.load %arg6[%get3A_9, %get3A_10] : memref<1000x1xf32, #tpu.memory_space<vmem>>, vector<1000x1xf32>
    %get3A_12 = arith.constant 0 : index
    %get3A_13 = arith.constant 0 : index
    %get3A_14 = vector.load %arg2[%get3A_12, %get3A_13] : memref<128x128xf32, #tpu.memory_space<vmem>>, vector<128x128xf32>
    %dot_general3A = arith.constant dense<0.000000e+00> : vector<1000x128xf32>
    %dot_general3A_15 = tpu.matmul %add3A, %get3A_14, %dot_general3A {dimension_numbers = #tpu.dot_dimension_numbers<[1], [0], [0], [1], [0, 0, 1, 1], [], []>, transpose_lhs_hint = false} : vector<1000x128xf32>, vector<128x128xf32>, vector<1000x128xf32> -> vector<1000x128xf32>
    %mul3A = vector.broadcast %get3A_11 : vector<1000x1xf32> to vector<1000x128xf32>
    %mul3A_16 = arith.mulf %dot_general3A_15, %mul3A : vector<1000x128xf32>
    %get3A_17 = arith.constant 0 : index
    %get3A_18 = arith.constant 0 : index
    %get3A_19 = vector.load %arg3[%get3A_17, %get3A_18] : memref<1x128xf32, #tpu.memory_space<vmem>>, vector<1x128xf32>
    %add3A_20 = vector.broadcast %get3A_19 : vector<1x128xf32> to vector<1000x128xf32>
    %add3A_21 = arith.addf %mul3A_16, %add3A_20 : vector<1000x128xf32>
    %reduce_sum3A = arith.constant dense<0.000000e+00> : vector<1000xf32>
    %reduce_sum3A_22 = vector.multi_reduction <add>, %add3A_21, %reduce_sum3A [1] : vector<1000x128xf32> to vector<1000xf32>
    %broadcast_in_dim3A = vector.shape_cast %reduce_sum3A_22 : vector<1000xf32> to vector<1000x1xf32>
    %div3A = arith.constant 1.280000e+02 : f32
    %div3A_23 = vector.broadcast %div3A : f32 to vector<1000x1xf32>
    %div3A_24 = arith.divf %broadcast_in_dim3A, %div3A_23 : vector<1000x1xf32>
    %sub3A = vector.broadcast %div3A_24 : vector<1000x1xf32> to vector<1000x128xf32>
    %sub3A_25 = arith.subf %add3A_21, %sub3A : vector<1000x128xf32>
    %mul3A_26 = arith.mulf %sub3A_25, %sub3A_25 : vector<1000x128xf32>
    %reduce_sum3A_27 = arith.constant dense<0.000000e+00> : vector<1000xf32>
    %reduce_sum3A_28 = vector.multi_reduction <add>, %mul3A_26, %reduce_sum3A_27 [1] : vector<1000x128xf32> to vector<1000xf32>
    %broadcast_in_dim3A_29 = vector.shape_cast %reduce_sum3A_28 : vector<1000xf32> to vector<1000x1xf32>
    %div3A_30 = arith.constant 1.280000e+02 : f32
    %div3A_31 = vector.broadcast %div3A_30 : f32 to vector<1000x1xf32>
    %div3A_32 = arith.divf %broadcast_in_dim3A_29, %div3A_31 : vector<1000x1xf32>
    %add3A_33 = arith.constant 9.99999974E-6 : f32
    %add3A_34 = vector.broadcast %add3A_33 : f32 to vector<1000x1xf32>
    %add3A_35 = arith.addf %div3A_32, %add3A_34 : vector<1000x1xf32>
    %rsqrt3A = math.rsqrt %add3A_35 : vector<1000x1xf32>
    %mul3A_36 = vector.broadcast %rsqrt3A : vector<1000x1xf32> to vector<1000x128xf32>
    %mul3A_37 = arith.mulf %sub3A_25, %mul3A_36 : vector<1000x128xf32>
    %get3A_38 = arith.constant 0 : index
    %get3A_39 = arith.constant 0 : index
    %get3A_40 = vector.load %arg4[%get3A_38, %get3A_39] : memref<1x128xf32, #tpu.memory_space<vmem>>, vector<1x128xf32>
    %mul3A_41 = vector.broadcast %get3A_40 : vector<1x128xf32> to vector<1000x128xf32>
    %mul3A_42 = arith.mulf %mul3A_37, %mul3A_41 : vector<1000x128xf32>
    %get3A_43 = arith.constant 0 : index
    %get3A_44 = arith.constant 0 : index
    %get3A_45 = vector.load %arg5[%get3A_43, %get3A_44] : memref<1x128xf32, #tpu.memory_space<vmem>>, vector<1x128xf32>
    %add3A_46 = vector.broadcast %get3A_45 : vector<1x128xf32> to vector<1000x128xf32>
    %add3A_47 = arith.addf %mul3A_42, %add3A_46 : vector<1000x128xf32>
    %max3A = arith.constant 0.000000e+00 : f32
    %max3A_48 = vector.broadcast %max3A : f32 to vector<1000x128xf32>
    %max3A_49 = arith.maximumf %add3A_47, %max3A_48 : vector<1000x128xf32>
    %mul3A_50 = vector.broadcast %get3A_11 : vector<1000x1xf32> to vector<1000x128xf32>
    %mul3A_51 = arith.mulf %max3A_49, %mul3A_50 : vector<1000x128xf32>
    %swap3A = arith.constant 0 : index
    %swap3A_52 = arith.constant 0 : index
    %swap3A_53 = vector.load %arg8[%swap3A, %swap3A_52] : memref<1000x128xf32, #tpu.memory_space<vmem>>, vector<1000x128xf32>
    tpu.vector_store %arg8[%swap3A, %swap3A_52], %mul3A_51 {strides = array<i32>} : memref<1000x128xf32, #tpu.memory_space<vmem>>, vector<1000x128xf32>,
    return
  }
  func.func @transform_0(%arg0: i32) -> (i32, i32, i32) {
    %c0_i32 = arith.constant 0 : i32
    %c0_i32_0 = arith.constant 0 : i32
    %c0_i32_1 = arith.constant 0 : i32
    return %c0_i32, %arg0, %c0_i32_0 : i32, i32, i32
  }
  func.func @transform_1(%arg0: i32) -> (i32, i32) {
    %c0_i32 = arith.constant 0 : i32
    %c0_i32_0 = arith.constant 0 : i32
    %c0_i32_1 = arith.constant 0 : i32
    return %c0_i32, %c0_i32_0 : i32, i32
  }
  func.func @transform_2(%arg0: i32) -> (i32, i32) {
    %c0_i32 = arith.constant 0 : i32
    %c0_i32_0 = arith.constant 0 : i32
    %c0_i32_1 = arith.constant 0 : i32
    return %c0_i32, %c0_i32_0 : i32, i32
  }
  func.func @transform_3(%arg0: i32) -> (i32, i32) {
    %c0_i32 = arith.constant 0 : i32
    %c0_i32_0 = arith.constant 0 : i32
    %c0_i32_1 = arith.constant 0 : i32
    return %c0_i32, %c0_i32_0 : i32, i32
  }
  func.func @transform_4(%arg0: i32) -> (i32, i32) {
    %c0_i32 = arith.constant 0 : i32
    %c0_i32_0 = arith.constant 0 : i32
    %c0_i32_1 = arith.constant 0 : i32
    return %c0_i32, %c0_i32_0 : i32, i32
  }
  func.func @transform_5(%arg0: i32) -> (i32, i32) {
    %c0_i32 = arith.constant 0 : i32
    %c0_i32_0 = arith.constant 0 : i32
    return %arg0, %c0_i32 : i32, i32
  }
  func.func @transform_6(%arg0: i32) -> (i32, i32) {
    %c0_i32 = arith.constant 0 : i32
    %c0_i32_0 = arith.constant 0 : i32
    %c0_i32_1 = arith.constant 0 : i32
    return %c0_i32, %c0_i32_0 : i32, i32
  }
  func.func @transform_7(%arg0: i32) -> (i32, i32) {
    %c0_i32 = arith.constant 0 : i32
    %c0_i32_0 = arith.constant 0 : i32
    return %arg0, %c0_i32 : i32, i32
  }
}

module attributes {stable_mosaic.version = 14 : i64} {
  func.func @_layer_body(%arg0: i32, %arg1: memref<2x1000x128xf32, #tpu.memory_space<vmem>>, %arg2: memref<128x128xf32, #tpu.memory_space<vmem>>, %arg3: memref<1x128xf32, #tpu.memory_space<vmem>>, %arg4: memref<1x128xf32, #tpu.memory_space<vmem>>, %arg5: memref<1x128xf32, #tpu.memory_space<vmem>>, %arg6: memref<1000x1xf32, #tpu.memory_space<vmem>>, %arg7: memref<128x64xf32, #tpu.memory_space<vmem>>, %arg8: memref<1000x64xf32, #tpu.memory_space<vmem>>) attributes {dimension_semantics = [#tpu.dimension_semantics<arbitrary>], iteration_bounds = array<i64: 10>, scalar_prefetch = 0 : i64, scratch_operands = 0 : i64, tpu.core_type = #tpu.core_type<tc>, window_params = [{transform_indices = @transform_0, window_bounds = array<i64: 2, 1000, 128>}, {pipeline_mode = #tpu.pipeline_mode<synchronous>, transform_indices = @transform_1, window_bounds = array<i64: 128, 128>}, {pipeline_mode = #tpu.pipeline_mode<synchronous>, transform_indices = @transform_2, window_bounds = array<i64: 1, 128>}, {pipeline_mode = #tpu.pipeline_mode<synchronous>, transform_indices = @transform_3, window_bounds = array<i64: 1, 128>}, {pipeline_mode = #tpu.pipeline_mode<synchronous>, transform_indices = @transform_4, window_bounds = array<i64: 1, 128>}, {transform_indices = @transform_5, window_bounds = array<i64: 1000, 1>}, {pipeline_mode = #tpu.pipeline_mode<synchronous>, transform_indices = @transform_6, window_bounds = array<i64: 128, 64>}, {transform_indices = @transform_7, window_bounds = array<i64: 1000, 64>}]} {
    %get3A = arith.constant 0 : index
    %get3A_0 = arith.constant 0 : index
    %get3A_1 = arith.constant 0 : index
    %get3A_2 = vector.load %arg1[%get3A, %get3A_0, %get3A_1] : memref<2x1000x128xf32, #tpu.memory_space<vmem>>, vector<1x1000x128xf32>
    %get3A_3 = vector.shape_cast %get3A_2 : vector<1x1000x128xf32> to vector<1000x128xf32>
    %get3A_4 = arith.constant 1 : index
    %get3A_5 = arith.constant 0 : index
    %get3A_6 = arith.constant 0 : index
    %get3A_7 = vector.load %arg1[%get3A_4, %get3A_5, %get3A_6] : memref<2x1000x128xf32, #tpu.memory_space<vmem>>, vector<1x1000x128xf32>
    %get3A_8 = vector.shape_cast %get3A_7 : vector<1x1000x128xf32> to vector<1000x128xf32>
    %add3A = arith.addf %get3A_3, %get3A_8 : vector<1000x128xf32>
    %get3A_9 = arith.constant 0 : index
    %get3A_10 = arith.constant 0 : index
    %get3A_11 = vector.load %arg6[%get3A_9, %get3A_10] : memref<1000x1xf32, #tpu.memory_space<vmem>>, vector<1000x1xf32>
    %get3A_12 = arith.constant 0 : index
    %get3A_13 = arith.constant 0 : index
    %get3A_14 = vector.load %arg2[%get3A_12, %get3A_13] : memref<128x128xf32, #tpu.memory_space<vmem>>, vector<128x128xf32>
    %dot_general3A = arith.constant dense<0.000000e+00> : vector<1000x128xf32>
    %dot_general3A_15 = tpu.matmul %add3A, %get3A_14, %dot_general3A {dimension_numbers = #tpu.dot_dimension_numbers<[1], [0], [0], [1], [0, 0, 1, 1], [], []>, transpose_lhs_hint = false} : vector<1000x128xf32>, vector<128x128xf32>, vector<1000x128xf32> -> vector<1000x128xf32>
    %mul3A = vector.broadcast %get3A_11 : vector<1000x1xf32> to vector<1000x128xf32>
    %mul3A_16 = arith.mulf %dot_general3A_15, %mul3A : vector<1000x128xf32>
    %get3A_17 = arith.constant 0 : index
    %get3A_18 = arith.constant 0 : index
    %get3A_19 = vector.load %arg3[%get3A_17, %get3A_18] : memref<1x128xf32, #tpu.memory_space<vmem>>, vector<1x128xf32>
    %add3A_20 = vector.broadcast %get3A_19 : vector<1x128xf32> to vector<1000x128xf32>
    %add3A_21 = arith.addf %mul3A_16, %add3A_20 : vector<1000x128xf32>
    %reduce_sum3A = arith.constant dense<0.000000e+00> : vector<1000xf32>
    %reduce_sum3A_22 = vector.multi_reduction <add>, %add3A_21, %reduce_sum3A [1] : vector<1000x128xf32> to vector<1000xf32>
    %broadcast_in_dim3A = vector.shape_cast %reduce_sum3A_22 : vector<1000xf32> to vector<1000x1xf32>
    %div3A = arith.constant 1.280000e+02 : f32
    %div3A_23 = vector.broadcast %div3A : f32 to vector<1000x1xf32>
    %div3A_24 = arith.divf %broadcast_in_dim3A, %div3A_23 : vector<1000x1xf32>
    %sub3A = vector.broadcast %div3A_24 : vector<1000x1xf32> to vector<1000x128xf32>
    %sub3A_25 = arith.subf %add3A_21, %sub3A : vector<1000x128xf32>
    %mul3A_26 = arith.mulf %sub3A_25, %sub3A_25 : vector<1000x128xf32>
    %reduce_sum3A_27 = arith.constant dense<0.000000e+00> : vector<1000xf32>
    %reduce_sum3A_28 = vector.multi_reduction <add>, %mul3A_26, %reduce_sum3A_27 [1] : vector<1000x128xf32> to vector<1000xf32>
    %broadcast_in_dim3A_29 = vector.shape_cast %reduce_sum3A_28 : vector<1000xf32> to vector<1000x1xf32>
    %div3A_30 = arith.constant 1.280000e+02 : f32
    %div3A_31 = vector.broadcast %div3A_30 : f32 to vector<1000x1xf32>
    %div3A_32 = arith.divf %broadcast_in_dim3A_29, %div3A_31 : vector<1000x1xf32>
    %add3A_33 = arith.constant 9.99999974E-6 : f32
    %add3A_34 = vector.broadcast %add3A_33 : f32 to vector<1000x1xf32>
    %add3A_35 = arith.addf %div3A_32, %add3A_34 : vector<1000x1xf32>
    %rsqrt3A = math.rsqrt %add3A_35 : vector<1000x1xf32>
    %mul3A_36 = vector.broadcast %rsqrt3A : vector<1000x1xf32> to vector<1000x128xf32>
    %mul3A_37 = arith.mulf %sub3A_25, %mul3A_36 : vector<1000x128xf32>
    %get3A_38 = arith.constant 0 : index
    %get3A_39 = arith.constant 0 : index
    %get3A_40 = vector.load %arg4[%get3A_38, %get3A_39] : memref<1x128xf32, #tpu.memory_space<vmem>>, vector<1x128xf32>
    %mul3A_41 = vector.broadcast %get3A_40 : vector<1x128xf32> to vector<1000x128xf32>
    %mul3A_42 = arith.mulf %mul3A_37, %mul3A_41 : vector<1000x128xf32>
    %get3A_43 = arith.constant 0 : index
    %get3A_44 = arith.constant 0 : index
    %get3A_45 = vector.load %arg5[%get3A_43, %get3A_44] : memref<1x128xf32, #tpu.memory_space<vmem>>, vector<1x128xf32>
    %add3A_46 = vector.broadcast %get3A_45 : vector<1x128xf32> to vector<1000x128xf32>
    %add3A_47 = arith.addf %mul3A_42, %add3A_46 : vector<1000x128xf32>
    %max3A = arith.constant 0.000000e+00 : f32
    %max3A_48 = vector.broadcast %max3A : f32 to vector<1000x128xf32>
    %max3A_49 = arith.maximumf %add3A_47, %max3A_48 : vector<1000x128xf32>
    %mul3A_50 = vector.broadcast %get3A_11 : vector<1000x1xf32> to vector<1000x128xf32>
    %mul3A_51 = arith.mulf %max3A_49, %mul3A_50 : vector<1000x128xf32>
    %get3A_52 = arith.constant 0 : index
    %get3A_53 = arith.constant 0 : index
    %get3A_54 = vector.load %arg7[%get3A_52, %get3A_53] : memref<128x64xf32, #tpu.memory_space<vmem>>, vector<128x64xf32>
    %dot_general3A_55 = arith.constant dense<0.000000e+00> : vector<1000x64xf32>
    %dot_general3A_56 = tpu.matmul %mul3A_51, %get3A_54, %dot_general3A_55 {dimension_numbers = #tpu.dot_dimension_numbers<[1], [0], [0], [1], [0, 0, 1, 1], [], []>, transpose_lhs_hint = false} : vector<1000x128xf32>, vector<128x64xf32>, vector<1000x64xf32> -> vector<1000x64xf32>
    %swap3A = arith.constant 0 : index
    %swap3A_57 = arith.constant 0 : index
    %swap3A_58 = vector.load %arg8[%swap3A, %swap3A_57] : memref<1000x64xf32, #tpu.memory_space<vmem>>, vector<1000x64xf32>
    tpu.vector_store %arg8[%swap3A, %swap3A_57], %dot_general3A_56 {strides = array<i32>} : memref<1000x64xf32, #tpu.memory_space<vmem>>, vector<1000x64xf32>,
    return
  }
  func.func @transform_0(%arg0: i32) -> (i32, i32, i32) {
    %c0_i32 = arith.constant 0 : i32
    %c0_i32_0 = arith.constant 0 : i32
    %c0_i32_1 = arith.constant 0 : i32
    return %c0_i32, %arg0, %c0_i32_0 : i32, i32, i32
  }
  func.func @transform_1(%arg0: i32) -> (i32, i32) {
    %c0_i32 = arith.constant 0 : i32
    %c0_i32_0 = arith.constant 0 : i32
    %c0_i32_1 = arith.constant 0 : i32
    return %c0_i32, %c0_i32_0 : i32, i32
  }
  func.func @transform_2(%arg0: i32) -> (i32, i32) {
    %c0_i32 = arith.constant 0 : i32
    %c0_i32_0 = arith.constant 0 : i32
    %c0_i32_1 = arith.constant 0 : i32
    return %c0_i32, %c0_i32_0 : i32, i32
  }
  func.func @transform_3(%arg0: i32) -> (i32, i32) {
    %c0_i32 = arith.constant 0 : i32
    %c0_i32_0 = arith.constant 0 : i32
    %c0_i32_1 = arith.constant 0 : i32
    return %c0_i32, %c0_i32_0 : i32, i32
  }
  func.func @transform_4(%arg0: i32) -> (i32, i32) {
    %c0_i32 = arith.constant 0 : i32
    %c0_i32_0 = arith.constant 0 : i32
    %c0_i32_1 = arith.constant 0 : i32
    return %c0_i32, %c0_i32_0 : i32, i32
  }
  func.func @transform_5(%arg0: i32) -> (i32, i32) {
    %c0_i32 = arith.constant 0 : i32
    %c0_i32_0 = arith.constant 0 : i32
    return %arg0, %c0_i32 : i32, i32
  }
  func.func @transform_6(%arg0: i32) -> (i32, i32) {
    %c0_i32 = arith.constant 0 : i32
    %c0_i32_0 = arith.constant 0 : i32
    %c0_i32_1 = arith.constant 0 : i32
    return %c0_i32, %c0_i32_0 : i32, i32
  }
  func.func @transform_7(%arg0: i32) -> (i32, i32) {
    %c0_i32 = arith.constant 0 : i32
    %c0_i32_0 = arith.constant 0 : i32
    return %arg0, %c0_i32 : i32, i32
  }
}

module attributes {stable_mosaic.version = 14 : i64} {
  func.func @_final_body(%arg0: i32, %arg1: memref<2x1000x64xf32, #tpu.memory_space<vmem>>, %arg2: memref<1000x1xf32, #tpu.memory_space<vmem>>, %arg3: memref<1x64xf32, #tpu.memory_space<vmem>>, %arg4: memref<1000x64xf32, #tpu.memory_space<vmem>>) attributes {dimension_semantics = [#tpu.dimension_semantics<arbitrary>], iteration_bounds = array<i64: 10>, scalar_prefetch = 0 : i64, scratch_operands = 0 : i64, tpu.core_type = #tpu.core_type<tc>, window_params = [{transform_indices = @transform_0, window_bounds = array<i64: 2, 1000, 64>}, {transform_indices = @transform_1, window_bounds = array<i64: 1000, 1>}, {pipeline_mode = #tpu.pipeline_mode<synchronous>, transform_indices = @transform_2, window_bounds = array<i64: 1, 64>}, {transform_indices = @transform_3, window_bounds = array<i64: 1000, 64>}]} {
    %get3A = arith.constant 0 : index
    %get3A_0 = arith.constant 0 : index
    %get3A_1 = arith.constant 0 : index
    %get3A_2 = vector.load %arg1[%get3A, %get3A_0, %get3A_1] : memref<2x1000x64xf32, #tpu.memory_space<vmem>>, vector<1x1000x64xf32>
    %get3A_3 = vector.shape_cast %get3A_2 : vector<1x1000x64xf32> to vector<1000x64xf32>
    %get3A_4 = arith.constant 1 : index
    %get3A_5 = arith.constant 0 : index
    %get3A_6 = arith.constant 0 : index
    %get3A_7 = vector.load %arg1[%get3A_4, %get3A_5, %get3A_6] : memref<2x1000x64xf32, #tpu.memory_space<vmem>>, vector<1x1000x64xf32>
    %get3A_8 = vector.shape_cast %get3A_7 : vector<1x1000x64xf32> to vector<1000x64xf32>
    %add3A = arith.addf %get3A_3, %get3A_8 : vector<1000x64xf32>
    %get3A_9 = arith.constant 0 : index
    %get3A_10 = arith.constant 0 : index
    %get3A_11 = vector.load %arg2[%get3A_9, %get3A_10] : memref<1000x1xf32, #tpu.memory_space<vmem>>, vector<1000x1xf32>
    %mul3A = vector.broadcast %get3A_11 : vector<1000x1xf32> to vector<1000x64xf32>
    %mul3A_12 = arith.mulf %add3A, %mul3A : vector<1000x64xf32>
    %get3A_13 = arith.constant 0 : index
    %get3A_14 = arith.constant 0 : index
    %get3A_15 = vector.load %arg3[%get3A_13, %get3A_14] : memref<1x64xf32, #tpu.memory_space<vmem>>, vector<1x64xf32>
    %add3A_16 = vector.broadcast %get3A_15 : vector<1x64xf32> to vector<1000x64xf32>
    %add3A_17 = arith.addf %mul3A_12, %add3A_16 : vector<1000x64xf32>
    %swap3A = arith.constant 0 : index
    %swap3A_18 = arith.constant 0 : index
    %swap3A_19 = vector.load %arg4[%swap3A, %swap3A_18] : memref<1000x64xf32, #tpu.memory_space<vmem>>, vector<1000x64xf32>
    tpu.vector_store %arg4[%swap3A, %swap3A_18], %add3A_17 {strides = array<i32>} : memref<1000x64xf32, #tpu.memory_space<vmem>>, vector<1000x64xf32>,
    return
  }
  func.func @transform_0(%arg0: i32) -> (i32, i32, i32) {
    %c0_i32 = arith.constant 0 : i32
    %c0_i32_0 = arith.constant 0 : i32
    %c0_i32_1 = arith.constant 0 : i32
    return %c0_i32, %arg0, %c0_i32_0 : i32, i32, i32
  }
  func.func @transform_1(%arg0: i32) -> (i32, i32) {
    %c0_i32 = arith.constant 0 : i32
    %c0_i32_0 = arith.constant 0 : i32
    return %arg0, %c0_i32 : i32, i32
  }
  func.func @transform_2(%arg0: i32) -> (i32, i32) {
    %c0_i32 = arith.constant 0 : i32
    %c0_i32_0 = arith.constant 0 : i32
    %c0_i32_1 = arith.constant 0 : i32
    return %c0_i32, %c0_i32_0 : i32, i32
  }
  func.func @transform_3(%arg0: i32) -> (i32, i32) {
    %c0_i32 = arith.constant 0 : i32
    %c0_i32_0 = arith.constant 0 : i32
    return %arg0, %c0_i32 : i32, i32
  }
}

</mosaic_0001>

<sc_bundles>
// kernel: kernel.10.cloned.1.call-start
scs
__scs_entry_jumppad:
0x0: {  	(pc) =	sbr.rel $0x88, $3  }
0x1: {  	(tag) =	ssettag $0x0;
	lr =	simm.s32 $0x1  }
0x2: {  	[smem:$0x3F95] =	sst lr;
	_ =	strace $0xD0000000  }
0x3: {  	_ = 	snop  }
0x4: {  	_ = 	snop  }
0x5: {  	_ = 	snop  }
0x6: {  	_ = 	snop  }
0x7: {  	_ = 	snop  }
__scs_overlays_trampoline_lowered:
0x8: {  	[smem:$0x3FA4] =	sst s0  }
0x9: {  	[smem:$0x3FA5] =	sst s1  }
0xa: {  	[smem:$0x3FA6] =	sst s2  }
0xb: {  	[smem:$0x3FA7] =	sst s3  }
0xc: {  	[smem:$0x3FA8] =	sst s4  }
0xd: {  	[smem:$0x3FA9] =	sst s5  }
0xe: {  	[smem:$0x3FAA] =	sst s6  }
0xf: {  	[smem:$0x3FAB] =	sst s7  }
0x10: {  	[smem:$0x3FAC] =	sst s8  }
0x11: {  	[smem:$0x3FAD] =	sst s9;
	s0 =	simm.s32 @!p0 $0x0  }
0x12: {  	s1 =	sld [smem:$0x3F93];
	s0 =	simm.s32 @p0 $0x1  }
0x13: {  	[smem:$0x3FAE] =	sst s0;
	s0 =	simm.s32 @!p1 $0x0  }
0x14: {  	s2 =	sld [smem:$0x3F92];
	s0 =	simm.s32 @p1 $0x1  }
0x15: {  	[smem:$0x3FAF] =	sst s0;
	s0 =	simm.s32 @!p2 $0x0  }
0x16: {  	s3 =	sld [smem:$0x3FDB];
	s0 =	simm.s32 @p2 $0x1  }
0x17: {  	s4 =	simm.s32 $0x1BF5;
	[smem:$0x3FB1] =	sst s0  }
0x18: {  	s0 =	sld [smem:$0x3F94];
	_ =	swait.ge [sflag:s4], $0x0  }
0x19: {  	s7 =	sld [smem:$0x3F95]  }
0x1a: {  	s8 =	sadd.s32 $0xFFFFE003, lr  }
0x1b: {  	s9 =	sadd.s32 $0xFFFFFEF7, lr;
	s5 =	simm.s32 $0xFFFFFFFF;
	p2 =	slt.u32 s8, $0xFFFFF086  }
0x1c: {  	p1 =	slt.u32 s9, $0xF7A;
	s5 =	simm.s32 @!p2 $0x0  }
0x1d: {  	s5 =	simm.s32 @p1 $0x1;
	p0 =	seq.s32 s7, s2  }
0x1e: {  	s7 =	smul.u32 @!p0 $0xF7A, s2;
	p2 =	seq.s32 @!p0 s5, $0x0  }
0x1f: {  	s9 =	smul.u32 $0xF7A, s1;
	s8 =	simm.s32 @!p0 $0x1BF5;
	p2 =	por !p2, p0  }
0x20: {  	[sflag:s8] =	ssyncset.s32 @!p0 $0xFFFFF086;
	s6 =	sadd.s32 @!p0 s3, s7;
	s7 =	simm.s32 @!p0 $0x108  }
0x21: {  	s3 =	sadd.s32 s3, s9;
	s6 =	sadd.s32 @!p0 $0x88, s6;
	s7 =	simm.s32 @p2 $0x1082  }
0x22: {  	[simem:s7], [sflag:s8] =	dma.local @!p0 [hbm:s6], $0xF7A  }
0x23: {  	s9 =	sor.u32 $0xD0000000, s2;
	s6 =	simm.s32 $0x108;
	_ =	swait.ge @!p0 [sflag:s8], $0x0  }
0x24: {  	s3 =	sadd.s32 $0x88, s3;
	s6 =	simm.s32 @!p1 $0x1082;
	[sflag:s4] =	ssyncset.s32 $0xFFFFF086  }
0x25: {  	[simem:s6], [sflag:s4] =	dma.local [hbm:s3], $0xF7A  }
0x26: {  	[smem:$0x3F95] =	sst s1;
	(tag) =	ssettag s2;
	_ =	strace s9  }
0x27: {  	s1 =	sld [smem:$0x3FA5]  }
0x28: {  	s2 =	sld [smem:$0x3FA6]  }
0x29: {  	s4 =	sld [smem:$0x3FA8]  }
0x2a: {  	p0 =	seq.s32 s5, $0x0;
	s5 =	sld [smem:$0x3FA9]  }
0x2b: {  	s6 =	sld [smem:$0x3FAA]  }
0x2c: {  	s7 =	sld [smem:$0x3FAB]  }
0x2d: {  	s3 =	simm.s32 $0x108;
	s8 =	sld [smem:$0x3FAC]  }
0x2e: {  	s3 =	simm.s32 @!p0 $0x1082;
	s9 =	sld [smem:$0x3FAD]  }
0x2f: {  	lr =	sadd.s32 s0, s3;
	s0 =	sld [smem:$0x3FA4]  }
0x30: {  	s3 =	sld [smem:$0x3FA7]  }
0x31: {  	[smem:$0x3FB0] =	sst s10  }
0x32: {  	s10 =	sld [smem:$0x3FAE];
	_ =	sdelay $0x3  }
0x33: {  	p0 =	seq.s32 s10, $0x1;
	s10 =	sld [smem:$0x3FB0];
	_ =	sdelay $0x3  }
0x34: {  	[smem:$0x3FB0] =	sst s10  }
0x35: {  	s10 =	sld [smem:$0x3FAF];
	_ =	sdelay $0x3  }
0x36: {  	p1 =	seq.s32 s10, $0x1;
	s10 =	sld [smem:$0x3FB0];
	_ =	sdelay $0x3  }
0x37: {  	[smem:$0x3FB0] =	sst s10  }
0x38: {  	s10 =	sld [smem:$0x3FB1]  }
0x39: {  	_ = 	snop;
	(pc) =	sbr.ind lr, $3  }
0x3a: {  	_ = 	snop  }
0x3b: {  	_ = 	snop  }
0x3c: {  	p2 =	seq.s32 s10, $0x1;
	s10 =	sld [smem:$0x3FB0]  }
0x3d: {  	_ =	shalt  }
0x3e: {  	_ =	shalt  }
0x3f: {  	_ =	shalt  }
0x40: {  	_ =	shalt  }
0x41: {  	_ =	shalt  }
0x42: {  	_ =	shalt  }
0x43: {  	_ =	shalt  }
0x44: {  	_ =	shalt  }
0x45: {  	_ =	shalt  }
0x46: {  	_ =	shalt  }
0x47: {  	_ =	shalt  }
0x48: {  	_ =	shalt  }
0x49: {  	_ =	shalt  }
0x4a: {  	_ =	shalt  }
0x4b: {  	_ =	shalt  }
0x4c: {  	_ =	shalt  }
0x4d: {  	_ =	shalt  }
0x4e: {  	_ =	shalt  }
0x4f: {  	_ =	shalt  }
0x50: {  	_ =	shalt  }
0x51: {  	_ =	shalt  }
0x52: {  	_ =	shalt  }
0x53: {  	_ =	shalt  }
0x54: {  	_ =	shalt  }
0x55: {  	_ =	shalt  }
0x56: {  	_ =	shalt  }
0x57: {  	_ =	shalt  }
0x58: {  	_ =	shalt  }
0x59: {  	_ =	shalt  }
0x5a: {  	_ =	shalt  }
0x5b: {  	_ =	shalt  }
0x5c: {  	_ =	shalt  }
0x5d: {  	_ =	shalt  }
0x5e: {  	_ =	shalt  }
0x5f: {  	_ =	shalt  }
0x60: {  	_ =	shalt  }
0x61: {  	_ =	shalt  }
0x62: {  	_ =	shalt  }
0x63: {  	_ =	shalt  }
0x64: {  	_ =	shalt  }
0x65: {  	_ =	shalt  }
0x66: {  	_ =	shalt  }
0x67: {  	_ =	shalt  }
0x68: {  	_ =	shalt  }
0x69: {  	_ =	shalt  }
0x6a: {  	_ =	shalt  }
0x6b: {  	_ =	shalt  }
0x6c: {  	_ =	shalt  }
0x6d: {  	_ =	shalt  }
0x6e: {  	_ =	shalt  }
0x6f: {  	_ =	shalt  }
0x70: {  	_ =	shalt  }
0x71: {  	_ =	shalt  }
0x72: {  	_ =	shalt  }
0x73: {  	_ =	shalt  }
0x74: {  	_ =	shalt  }
0x75: {  	_ =	shalt  }
0x76: {  	_ =	shalt  }
0x77: {  	_ =	shalt  }
0x78: {  	_ =	shalt  }
0x79: {  	_ =	shalt  }
0x7a: {  	_ =	shalt  }
0x7b: {  	_ =	shalt  }
0x7c: {  	_ =	shalt  }
0x7d: {  	_ =	shalt  }
0x7e: {  	_ =	shalt  }
0x7f: {  	_ =	shalt  }
0x80: {  	_ =	shalt  }
0x81: {  	_ =	shalt  }
0x82: {  	_ =	shalt  }
0x83: {  	_ =	shalt  }
0x84: {  	_ =	shalt  }
0x85: {  	_ =	shalt  }
0x86: {  	_ =	shalt  }
0x87: {  	_ =	shalt  }
.Lfunc_end0:
.L_simem_size_0:
called_computation_lowered:
.L_overlay_start_0:
0x88: {  	s2 =	sld [smem:$0x3FD9]  }
0x89: {  	s3 =	sld [smem:$0x3FFE];
	_ =	sdelay $0x1  }
0x8a: {  	s1 =	srdreg.scid  }
0x8b: {  	s0 =	sand.u32 $0x1, s1  }
0x8c: {  	s16 =	sshll.u32 s0, $0xA;
	s2 =	sadd.s32 s3, s2  }
0x8d: {  	s2 =	sadd.s32 s2, s16  }
0x8e: {  	[smem:$0x3FBC] =	sst s2  }
0x8f: {  	_ = 	snop  }
0x90: {  	(tm) =	ssettm $0x1  }
0x91: {  	s17 =	sld [smem:$0x3FFB];
	_ =	sdelay $0x3  }
0x92: {  	_ =	strace s17  }
0x93: {  	s2 =	sld [smem:$0x3FFC];
	_ =	sdelay $0x3  }
0x94: {  	_ =	strace s2  }
0x95: {  	s2 =	sld [smem:$0x3FFD];
	_ =	sdelay $0x3  }
0x96: {  	_ =	strace s2  }
0x97: {  	_ =	strace $0x8FFFFFFF  }
0x98: {  	s18 =	sld [smem:$0x3FDB];
	_ =	sdelay $0x1  }
0x99: {  	s19 =	simm.s32 $_scs_section_size  }
0x9a: {  	s4 =	simm.s32 $_size__tile_overlayer_lowered;
	s5 =	simm.s32 $_tile_overlayer_lowered  }
0x9b: {  	s22 =	simm.s32 $0x1BFF;
	s21 =	sshll.u32 s5, $0x1;
	s2 =	sadd.s32 s19, s18  }
0x9c: {  	s6 =	simm.s32 $0x0;
	s20 =	sshll.u32 s4, $0x1;
	s4 =	sadd.s32 s21, s2  }
0x9d: {  	[timem:s6], [sflag:s22] =	dma.local [hbm:s4], s20  }
0x9e: {  	_ =	swait.ge [sflag:s22], s20  }
0x9f: {  	s3 =	ssub.s32 $0x0, s20;
	[sflag:s22] =	ssyncset.done $0x0  }
0xa0: {  	[sflag:s22] =	ssyncadd.s32 s3;
	_ =	sdelay $0x1  }
0xa1: {  	s23 =	simm.s32 $0x1B8B  }
0xa2: {  	_ =	swait.ge [sflag:s23], $0x1  }
0xa3: {  	[sflag:s23] =	ssyncset.done $0x0  }
0xa4: {  	s25 =	simm.s32 $0x1B8E;
	s24 =	sld [smem:$0x3FFE];
	[sflag:s23] =	ssyncadd.s32 $0xFFFFFFFF  }
0xa5: {  	s26 =	simm.s32 $execute0_lowered;
	[smem:$0x3FD2] =	sst s25  }
0xa6: {  	s4 =	sshll.u32 s26, $0x1;
	_ =	strace $0x80000046;
	[dreg:$0x1] =	wrdreg $0xFFFFFFFF  }
0xa7: {  	s28 =	simm.s32 $_size_execute0_lowered;
	s2 =	sadd.s32 s2, s4;
	[dreg:$0x0] =	wrdreg $0x0  }
0xa8: {  	s4 =	sshll.u32 s28, $0x1;
	[dreg:$0x2] =	wrdreg s2  }
0xa9: {  	[dreg:$0x3] =	wrdreg s4  }
0xaa: {  	[dreg:$0x4] =	wrdreg $0xC0  }
0xab: {  	_ =	task [dreg:s6], $0x5FFFF  }
0xac: {  	[dreg:$0x1] =	wrdreg $0xFFFFFFFF  }
0xad: {  	[dreg:$0x0] =	wrdreg $0x60  }
0xae: {  	[dreg:$0x2] =	wrdreg s24  }
0xaf: {  	[dreg:$0x3] =	wrdreg $0x2F800  }
0xb0: {  	[dreg:$0x4] =	wrdreg $0x9  }
0xb1: {  	_ =	task.clear_ibuf [dreg:s6], $0x5FFFF;
	_ =	strace $0x90000046  }
0xb2: {  	s29 =	simm.s32 $0x9;
	_ =	strace $0x80000048  }
0xb3: {  	_ =	swait.ge [sflag:s29], $0x1  }
0xb4: {  	[sflag:s29] =	ssyncadd.s32 $0xFFFFFFFF  }
0xb5: {  	_ =	strace $0x90000048  }
0xb6: {  	_ =	sfence  }
0xb7: {  	s30 =	sld [smem:$0x0];
	_ =	sdelay $0x2  }
0xb8: {  	s31 =	sshll.u32 s1, $0xD;
	s1 =	sshrl.u32 s1, $0x2  }
0xb9: {  	s3 =	sand.u32 $0x4000, s31;
	s1 =	sadd.s32 s1, s30  }
0xba: {  	s0 =	sor.u32 s3, s0;
	s1 =	sshll.u32 s1, $0x11  }
0xbb: {  	s0 =	sor.u32 s1, s0  }
0xbc: {  	s0 =	sadd.s32 $0x8F2B, s0  }
0xbd: {  	[sflag:s0] =	ssyncadd.remote.s32 $0x1  }
0xbe: {  	_ =	sfence.sel $0xFFFF  }
0xbf: {  	[dreg:$0x0] =	wrdreg $0xFFFFFFFF;
	(pc) =	sbr.abs _section_cstart, $3  }
0xc0: {  	[dreg:$0x1] =	wrdreg $0xFFFFFFFF  }
0xc1: {  	_ =	task.clear_ibuf [dreg:s6], $0x2FFFF;
	_ =	strace $0x9FFFFFFF  }
0xc2: {  	(tm) =	ssettm $0x7FFFFFFF  }
0xc3: {  	_ =	shalt  }
tec
execute0_lowered:
.L_overlay_start_1:
0x0: {  	(tag) =	ssettag $0x1  }
0x1: {  	s6 =	rddreg [dreg:$0x0]  }
0x2: {  	s0 =	srdreg.scid;
	s2 =	rddreg [dreg:$0x1];
	s3 =	simm.s32 $0x0  }
0x3: {  	s12 =	simm.s32 $0x2780;
	s5 =	sand.u32 $0x1, s0;
	s0 =	stileid.u32  }
0x4: {  	s13 =	simm.s32 $0x80;
	s14 =	simm.s32 $0x0;
	s7 =	smul.u32 $0x2780, s0  }
0x5: {  	[smem:$0x7FF] =	sst s3;
	s1 =	sshll.u32 s5, $0x4;
	s8 =	smul.u32 $0x27800, s5  }
0x6: {  	s10 =	ssub.s32 $0x2, s5;
	s5 =	sadd.s32 $0xCC00, s6;
	s1 =	sor.u32 s0, s1  }
0x7: {  	s31 =	sshll.u32 s0, $0x6;
	s30 =	sshrl.u32 s10, $0x1;
	s4 =	smul.u32 $0x4F0, s1  }
0x8: {  	s1 =	rddreg [dreg:$0x2];
	_ =	strace $0x80000047;
	s8 =	sadd.s32 s7, s8  }
0x9: {  	s10 =	ssub.s32 s10, s30;
	s11 =	sadd.s32 s7, s2;
	s8 =	sshrl.u32 s8, $0x3  }
0xa: {  	s9 =	sadd.s32 s4, s6;
	s4 =	sadd.s32 $0xD200, s6;
	s8 =	sadd.s32 s8, s6  }
0xb: {  	s6 =	sor.u32 $0x1C01, s31;
	s7 =	sadd.s32 $0x2E00, s9;
	s8 =	sadd.s32 $0xD400, s8  }
0xc: {  	s9 =	smax.u32 s10, $0x1;
	s10 =	sshrl.u32 s11, $0x3;
	s11 =	simm.s32 $0x1  }
.LBB2_1:
0xd: {  	[spmem:s10], [sflag:s6] =	dma.local [hbm:s5], $0x4F0  }
0xe: {  	_ =	swait.ge [sflag:s11], $0x4F0  }
0xf: {  	[sflag:s11] =	ssyncset.done $0x0  }
0x10: {  	[sflag:s11] =	ssyncadd.s32 $0xFFFFFB10  }
0x11: {  	[tilespmem:s3], [sflag:$0x1] =	stream.linear.gather [hbm4b:s7+s3], $0x2780, $0x38;
	[tilespmem:$0x5700] =	vst v63  }
0x12: {  	_ =	swait.ge [sflag:s11], $0x2780  }
0x13: {  	[sflag:s11] =	ssyncset.done $0x0  }
0x14: {  	[sflag:s11] =	ssyncadd.s32 $0xFFFFD880  }
0x15: {  	[tilespmem:s12], [sflag:$0x1] =	stream.linear.gather [hbm4b:s4+s3], $0x800, $0x38;
	[tilespmem:$0x5700] =	vst v63  }
0x16: {  	_ =	swait.ge [sflag:s11], $0x800  }
0x17: {  	[sflag:s11] =	ssyncset.done $0x0  }
0x18: {  	[sflag:s11] =	ssyncadd.s32 $0xFFFFF800  }
0x19: {  	s15 =	simm.s32 $0x0;
	[bflag:$0x0] =	sbarrier.arrive $0xFFFF  }
0x1a: {  	[spmem:s2] =	stream.indirect.scatter.add.f32 [tilespmem:s12], [sflag:$0x1], $0x10, s15, s13, $0xb8;
	[tilespmem:$0x5700] =	vst v63  }
0x1b: {  	_ =	swait.ge [sflag:s11], $0x800  }
0x1c: {  	s15 =	simm.s32 $0x200;
	[sflag:s11] =	ssyncset.done $0x0  }
.LBB2_2:
0x1d: {  	s16 =	sshra.s32 s15, $0x2;
	[sflag:s11] =	ssyncadd.s32 $0xFFFFF800;
	p0 =	sne.s32 s15, $0x9C00  }
0x1e: {  	[spmem:s2] =	stream.indirect.scatter.add.f32 [tilespmem:s12], [sflag:$0x1], $0x10, s16, s13, $0xb8;
	[tilespmem:$0x5700] =	vst v63  }
.Ltmp0:
0x1f: {  	_ = 	snop;
	(pc) =	sbr.rel @p0 .LBB2_2-.Ltmp0, $4  }
0x20: {  	_ = 	snop  }
0x21: {  	s15 =	sadd.s32 $0x200, s15  }
0x22: {  	_ =	swait.ge [sflag:s11], $0x800  }
0x23: {  	[sflag:s11] =	ssyncset.done $0x0  }
0x24: {  	s14 =	sadd.s32 $0x1, s14  }
0x25: {  	[sflag:s11] =	ssyncadd.s32 $0xFFFFF800;
	p0 =	sne.s32 s14, s9  }
.Ltmp1:
0x26: {  	[bflag:$0x0] =	sbarrier.arrive $0xFFFF;
	(pc) =	sbr.rel @p0 .LBB2_1-.Ltmp1, $4  }
0x27: {  	[hbm:s8], [sflag:s6] =	dma.local [spmem:s10], $0x4F0  }
0x28: {  	_ =	swait.ge [sflag:s11], $0x4F0  }
0x29: {  	[sflag:s11] =	ssyncset.done $0x0  }
0x2a: {  	[sflag:s11] =	ssyncadd.s32 $0xFFFFFB10  }
0x2b: {  	_ =	sfence.sel $0x180000  }
0x2c: {  	[bflag:$0x0] =	sbarrier.arrive $0xFFFF  }
0x2d: {  	p0 =	sne.s32 s0, $0x0;
	_ =	strace $0x90000047  }
0x2e: {  	s0 =	sadd.s32 @!p0 $0x100000, s1;
	[bflag:$0x2] =	sbarrier.arrive $0xFFFF  }
0x2f: {  	[sflag:s0] =	ssyncadd.tile.s32 @!p0 $0x1;
	_ =	shalt  }
.Lfunc_end2:
_tile_overlayer_lowered:
.L_overlay_start_2:
0x30: {  	(tag) =	ssettag $0x2  }
0x31: {  	s0 =	rddreg [dreg:$0x0];
	s2 =	stileid.u32  }
0x32: {  	s1 =	rddreg [dreg:$0x1];
	p0 =	sne.s32 s2, $0x0  }
0x33: {  	s3 =	rddreg [dreg:$0x2];
	[bflag:$0x3] =	sbarrier.arrive $0xFFFF;
	s2 =	simm.s32 @!p0 $0x1C01  }
0x34: {  	[timem:s3], [sflag:s2] =	dma.local @!p0 [hbm:s0], s1  }
0x35: {  	s0 =	simm.s32 @!p0 $0x1  }
0x36: {  	_ =	swait.ge @!p0 [sflag:s0], s1  }
0x37: {  	s1 =	ssub.s32 @!p0 $0x0, s1;
	[sflag:s0] =	ssyncset.done @!p0 $0x0  }
0x38: {  	[sflag:s0] =	ssyncadd.s32 @!p0 s1  }
0x39: {  	[bflag:$0x3] =	sbarrier.arrive $0xFFFF  }
0x3a: {  	_ =	shalt  }

// kernel: kernel.13.cloned.1.call-start
scs
__scs_entry_jumppad:
0x0: {  	(pc) =	sbr.rel $0x88, $3  }
0x1: {  	(tag) =	ssettag $0x0;
	lr =	simm.s32 $0x1  }
0x2: {  	[smem:$0x3F95] =	sst lr;
	_ =	strace $0xD0000000  }
0x3: {  	_ = 	snop  }
0x4: {  	_ = 	snop  }
0x5: {  	_ = 	snop  }
0x6: {  	_ = 	snop  }
0x7: {  	_ = 	snop  }
__scs_overlays_trampoline_lowered:
0x8: {  	[smem:$0x3FA4] =	sst s0  }
0x9: {  	[smem:$0x3FA5] =	sst s1  }
0xa: {  	[smem:$0x3FA6] =	sst s2  }
0xb: {  	[smem:$0x3FA7] =	sst s3  }
0xc: {  	[smem:$0x3FA8] =	sst s4  }
0xd: {  	[smem:$0x3FA9] =	sst s5  }
0xe: {  	[smem:$0x3FAA] =	sst s6  }
0xf: {  	[smem:$0x3FAB] =	sst s7  }
0x10: {  	[smem:$0x3FAC] =	sst s8  }
0x11: {  	[smem:$0x3FAD] =	sst s9;
	s0 =	simm.s32 @!p0 $0x0  }
0x12: {  	s1 =	sld [smem:$0x3F93];
	s0 =	simm.s32 @p0 $0x1  }
0x13: {  	[smem:$0x3FAE] =	sst s0;
	s0 =	simm.s32 @!p1 $0x0  }
0x14: {  	s2 =	sld [smem:$0x3F92];
	s0 =	simm.s32 @p1 $0x1  }
0x15: {  	[smem:$0x3FAF] =	sst s0;
	s0 =	simm.s32 @!p2 $0x0  }
0x16: {  	s3 =	sld [smem:$0x3FDB];
	s0 =	simm.s32 @p2 $0x1  }
0x17: {  	s4 =	simm.s32 $0x1BF5;
	[smem:$0x3FB1] =	sst s0  }
0x18: {  	s0 =	sld [smem:$0x3F94];
	_ =	swait.ge [sflag:s4], $0x0  }
0x19: {  	s7 =	sld [smem:$0x3F95]  }
0x1a: {  	s8 =	sadd.s32 $0xFFFFE003, lr  }
0x1b: {  	s9 =	sadd.s32 $0xFFFFFEF7, lr;
	s5 =	simm.s32 $0xFFFFFFFF;
	p2 =	slt.u32 s8, $0xFFFFF086  }
0x1c: {  	p1 =	slt.u32 s9, $0xF7A;
	s5 =	simm.s32 @!p2 $0x0  }
0x1d: {  	s5 =	simm.s32 @p1 $0x1;
	p0 =	seq.s32 s7, s2  }
0x1e: {  	s7 =	smul.u32 @!p0 $0xF7A, s2;
	p2 =	seq.s32 @!p0 s5, $0x0  }
0x1f: {  	s9 =	smul.u32 $0xF7A, s1;
	s8 =	simm.s32 @!p0 $0x1BF5;
	p2 =	por !p2, p0  }
0x20: {  	[sflag:s8] =	ssyncset.s32 @!p0 $0xFFFFF086;
	s6 =	sadd.s32 @!p0 s3, s7;
	s7 =	simm.s32 @!p0 $0x108  }
0x21: {  	s3 =	sadd.s32 s3, s9;
	s6 =	sadd.s32 @!p0 $0x88, s6;
	s7 =	simm.s32 @p2 $0x1082  }
0x22: {  	[simem:s7], [sflag:s8] =	dma.local @!p0 [hbm:s6], $0xF7A  }
0x23: {  	s9 =	sor.u32 $0xD0000000, s2;
	s6 =	simm.s32 $0x108;
	_ =	swait.ge @!p0 [sflag:s8], $0x0  }
0x24: {  	s3 =	sadd.s32 $0x88, s3;
	s6 =	simm.s32 @!p1 $0x1082;
	[sflag:s4] =	ssyncset.s32 $0xFFFFF086  }
0x25: {  	[simem:s6], [sflag:s4] =	dma.local [hbm:s3], $0xF7A  }
0x26: {  	[smem:$0x3F95] =	sst s1;
	(tag) =	ssettag s2;
	_ =	strace s9  }
0x27: {  	s1 =	sld [smem:$0x3FA5]  }
0x28: {  	s2 =	sld [smem:$0x3FA6]  }
0x29: {  	s4 =	sld [smem:$0x3FA8]  }
0x2a: {  	p0 =	seq.s32 s5, $0x0;
	s5 =	sld [smem:$0x3FA9]  }
0x2b: {  	s6 =	sld [smem:$0x3FAA]  }
0x2c: {  	s7 =	sld [smem:$0x3FAB]  }
0x2d: {  	s3 =	simm.s32 $0x108;
	s8 =	sld [smem:$0x3FAC]  }
0x2e: {  	s3 =	simm.s32 @!p0 $0x1082;
	s9 =	sld [smem:$0x3FAD]  }
0x2f: {  	lr =	sadd.s32 s0, s3;
	s0 =	sld [smem:$0x3FA4]  }
0x30: {  	s3 =	sld [smem:$0x3FA7]  }
0x31: {  	[smem:$0x3FB0] =	sst s10  }
0x32: {  	s10 =	sld [smem:$0x3FAE];
	_ =	sdelay $0x3  }
0x33: {  	p0 =	seq.s32 s10, $0x1;
	s10 =	sld [smem:$0x3FB0];
	_ =	sdelay $0x3  }
0x34: {  	[smem:$0x3FB0] =	sst s10  }
0x35: {  	s10 =	sld [smem:$0x3FAF];
	_ =	sdelay $0x3  }
0x36: {  	p1 =	seq.s32 s10, $0x1;
	s10 =	sld [smem:$0x3FB0];
	_ =	sdelay $0x3  }
0x37: {  	[smem:$0x3FB0] =	sst s10  }
0x38: {  	s10 =	sld [smem:$0x3FB1]  }
0x39: {  	_ = 	snop;
	(pc) =	sbr.ind lr, $3  }
0x3a: {  	_ = 	snop  }
0x3b: {  	_ = 	snop  }
0x3c: {  	p2 =	seq.s32 s10, $0x1;
	s10 =	sld [smem:$0x3FB0]  }
0x3d: {  	_ =	shalt  }
0x3e: {  	_ =	shalt  }
0x3f: {  	_ =	shalt  }
0x40: {  	_ =	shalt  }
0x41: {  	_ =	shalt  }
0x42: {  	_ =	shalt  }
0x43: {  	_ =	shalt  }
0x44: {  	_ =	shalt  }
0x45: {  	_ =	shalt  }
0x46: {  	_ =	shalt  }
0x47: {  	_ =	shalt  }
0x48: {  	_ =	shalt  }
0x49: {  	_ =	shalt  }
0x4a: {  	_ =	shalt  }
0x4b: {  	_ =	shalt  }
0x4c: {  	_ =	shalt  }
0x4d: {  	_ =	shalt  }
0x4e: {  	_ =	shalt  }
0x4f: {  	_ =	shalt  }
0x50: {  	_ =	shalt  }
0x51: {  	_ =	shalt  }
0x52: {  	_ =	shalt  }
0x53: {  	_ =	shalt  }
0x54: {  	_ =	shalt  }
0x55: {  	_ =	shalt  }
0x56: {  	_ =	shalt  }
0x57: {  	_ =	shalt  }
0x58: {  	_ =	shalt  }
0x59: {  	_ =	shalt  }
0x5a: {  	_ =	shalt  }
0x5b: {  	_ =	shalt  }
0x5c: {  	_ =	shalt  }
0x5d: {  	_ =	shalt  }
0x5e: {  	_ =	shalt  }
0x5f: {  	_ =	shalt  }
0x60: {  	_ =	shalt  }
0x61: {  	_ =	shalt  }
0x62: {  	_ =	shalt  }
0x63: {  	_ =	shalt  }
0x64: {  	_ =	shalt  }
0x65: {  	_ =	shalt  }
0x66: {  	_ =	shalt  }
0x67: {  	_ =	shalt  }
0x68: {  	_ =	shalt  }
0x69: {  	_ =	shalt  }
0x6a: {  	_ =	shalt  }
0x6b: {  	_ =	shalt  }
0x6c: {  	_ =	shalt  }
0x6d: {  	_ =	shalt  }
0x6e: {  	_ =	shalt  }
0x6f: {  	_ =	shalt  }
0x70: {  	_ =	shalt  }
0x71: {  	_ =	shalt  }
0x72: {  	_ =	shalt  }
0x73: {  	_ =	shalt  }
0x74: {  	_ =	shalt  }
0x75: {  	_ =	shalt  }
0x76: {  	_ =	shalt  }
0x77: {  	_ =	shalt  }
0x78: {  	_ =	shalt  }
0x79: {  	_ =	shalt  }
0x7a: {  	_ =	shalt  }
0x7b: {  	_ =	shalt  }
0x7c: {  	_ =	shalt  }
0x7d: {  	_ =	shalt  }
0x7e: {  	_ =	shalt  }
0x7f: {  	_ =	shalt  }
0x80: {  	_ =	shalt  }
0x81: {  	_ =	shalt  }
0x82: {  	_ =	shalt  }
0x83: {  	_ =	shalt  }
0x84: {  	_ =	shalt  }
0x85: {  	_ =	shalt  }
0x86: {  	_ =	shalt  }
0x87: {  	_ =	shalt  }
.Lfunc_end0:
.L_simem_size_0:
called_computation.1_lowered:
.L_overlay_start_0:
0x88: {  	s2 =	sld [smem:$0x3FD9]  }
0x89: {  	s3 =	sld [smem:$0x3FFE];
	_ =	sdelay $0x1  }
0x8a: {  	s1 =	srdreg.scid  }
0x8b: {  	s0 =	sand.u32 $0x1, s1  }
0x8c: {  	s17 =	sshll.u32 s0, $0xA;
	s2 =	sadd.s32 s3, s2  }
0x8d: {  	s2 =	sadd.s32 s2, s17  }
0x8e: {  	[smem:$0x3FBC] =	sst s2  }
0x8f: {  	_ = 	snop  }
0x90: {  	s2 =	sld [smem:$0x3FD0];
	(tm) =	ssettm $0x1  }
0x91: {  	s18 =	sld [smem:$0x3FFB];
	_ =	sdelay $0x3  }
0x92: {  	_ =	strace s18  }
0x93: {  	s3 =	sld [smem:$0x3FFC];
	_ =	sdelay $0x3  }
0x94: {  	_ =	strace s3  }
0x95: {  	s3 =	sld [smem:$0x3FFD];
	_ =	sdelay $0x3  }
0x96: {  	_ =	strace s3  }
0x97: {  	_ =	strace $0x8FFFFFFF  }
0x98: {  	s19 =	sld [smem:$0x3FDB];
	_ =	sdelay $0x1  }
0x99: {  	s4 =	simm.s32 $_scs_section_size  }
0x9a: {  	s5 =	simm.s32 $_size__tile_overlayer_lowered;
	s6 =	simm.s32 $_tile_overlayer_lowered  }
0x9b: {  	s22 =	simm.s32 $0x1BFF;
	s21 =	sshll.u32 s6, $0x1;
	s3 =	sadd.s32 s4, s19  }
0x9c: {  	s7 =	simm.s32 $0x0;
	s20 =	sshll.u32 s5, $0x1;
	s5 =	sadd.s32 s21, s3  }
0x9d: {  	[timem:s7], [sflag:s22] =	dma.local [hbm:s5], s20  }
0x9e: {  	_ =	swait.ge [sflag:s22], s20  }
0x9f: {  	s4 =	ssub.s32 $0x0, s20;
	[sflag:s22] =	ssyncset.done $0x0  }
0xa0: {  	[sflag:s22] =	ssyncadd.s32 s4;
	_ =	sdelay $0x1  }
0xa1: {  	s23 =	simm.s32 $0x1B8B  }
0xa2: {  	_ =	swait.ge [sflag:s23], $0x1  }
0xa3: {  	[sflag:s23] =	ssyncset.done $0x0  }
0xa4: {  	s25 =	simm.s32 $0x1B8E;
	s24 =	sld [smem:$0x3FFE];
	[sflag:s23] =	ssyncadd.s32 $0xFFFFFFFF  }
0xa5: {  	s26 =	simm.s32 $execute0_lowered;
	[smem:$0x3FD2] =	sst s25  }
0xa6: {  	s5 =	sshll.u32 s26, $0x1;
	_ =	strace $0x80000049;
	[dreg:$0x1] =	wrdreg $0xFFFFFFFF  }
0xa7: {  	s28 =	simm.s32 $_size_execute0_lowered;
	s3 =	sadd.s32 s3, s5;
	[dreg:$0x0] =	wrdreg $0x0  }
0xa8: {  	s5 =	sshll.u32 s28, $0x1;
	[dreg:$0x2] =	wrdreg s3  }
0xa9: {  	[dreg:$0x3] =	wrdreg s5  }
0xaa: {  	[dreg:$0x4] =	wrdreg $0xC0  }
0xab: {  	_ =	task [dreg:s7], $0x5FFFF  }
0xac: {  	[dreg:$0x1] =	wrdreg $0xFFFFFFFF  }
0xad: {  	[dreg:$0x0] =	wrdreg $0x60  }
0xae: {  	[dreg:$0x2] =	wrdreg s2  }
0xaf: {  	[dreg:$0x3] =	wrdreg s24  }
0xb0: {  	[dreg:$0x4] =	wrdreg $0x90000  }
0xb1: {  	[dreg:$0x5] =	wrdreg $0x9  }
0xb2: {  	_ =	task.clear_ibuf [dreg:s7], $0x6FFFF;
	_ =	strace $0x90000049  }
0xb3: {  	s29 =	simm.s32 $0x9;
	_ =	strace $0x8000004B  }
0xb4: {  	_ =	swait.ge [sflag:s29], $0x1  }
0xb5: {  	[sflag:s29] =	ssyncadd.s32 $0xFFFFFFFF  }
0xb6: {  	_ =	strace $0x9000004B  }
0xb7: {  	_ =	sfence  }
0xb8: {  	s30 =	sld [smem:$0x0];
	_ =	sdelay $0x2  }
0xb9: {  	s31 =	sshll.u32 s1, $0xD;
	s1 =	sshrl.u32 s1, $0x2  }
0xba: {  	s3 =	sand.u32 $0x4000, s31;
	s1 =	sadd.s32 s1, s30  }
0xbb: {  	s0 =	sor.u32 s3, s0;
	s1 =	sshll.u32 s1, $0x11  }
0xbc: {  	s0 =	sor.u32 s1, s0  }
0xbd: {  	s0 =	sadd.s32 $0x8F2B, s0  }
0xbe: {  	[sflag:s0] =	ssyncadd.remote.s32 $0x1  }
0xbf: {  	_ =	sfence.sel $0xFFFF  }
0xc0: {  	[dreg:$0x0] =	wrdreg $0xFFFFFFFF;
	(pc) =	sbr.abs _section_cstart, $3  }
0xc1: {  	[dreg:$0x1] =	wrdreg $0xFFFFFFFF  }
0xc2: {  	_ =	task.clear_ibuf [dreg:s7], $0x2FFFF;
	_ =	strace $0x9FFFFFFF  }
0xc3: {  	(tm) =	ssettm $0x7FFFFFFF  }
tec
execute0_lowered:
.L_overlay_start_1:
0x0: {  	(tag) =	ssettag $0x1  }
0x1: {  	s7 =	rddreg [dreg:$0x0]  }
0x2: {  	s8 =	rddreg [dreg:$0x1]  }
0x3: {  	s0 =	srdreg.scid;
	s2 =	rddreg [dreg:$0x2]  }
0x4: {  	s3 =	simm.s32 $0x0;
	s14 =	simm.s32 $0x80;
	s15 =	simm.s32 $0x5000  }
0x5: {  	s16 =	simm.s32 $0x1;
	s6 =	sand.u32 $0x1, s0;
	s0 =	stileid.u32  }
0x6: {  	s17 =	simm.s32 $0x0;
	[smem:$0x7FF] =	sst s3;
	s5 =	smul.u32 $0x13C000, s6  }
0x7: {  	s4 =	sadd.s32 $0x21200, s8;
	s1 =	sshll.u32 s6, $0x4;
	s10 =	smul.u32 $0x13C00, s0  }
0x8: {  	s12 =	smul.u32 $0x4F000, s0;
	s6 =	ssub.s32 $0x2, s6;
	s1 =	sor.u32 s0, s1  }
0x9: {  	s31 =	sshll.u32 s0, $0x6;
	s30 =	sshrl.u32 s6, $0x1;
	s9 =	smul.u32 $0x500, s1  }
0xa: {  	s1 =	rddreg [dreg:$0x3];
	_ =	strace $0x8000004A;
	s10 =	sadd.s32 s10, s5  }
0xb: {  	s5 =	sadd.s32 $0xCC00, s8;
	s12 =	sshrl.u32 s12, $0x2;
	s13 =	ssub.s32 s6, s30  }
0xc: {  	s6 =	sor.u32 $0x1C02, s31;
	s10 =	sshrl.u32 s10, $0x3;
	s12 =	sadd.s32 s12, s2  }
0xd: {  	s11 =	sadd.s32 s9, s8;
	s10 =	sadd.s32 s10, s8;
	s7 =	sadd.s32 s7, s9  }
0xe: {  	s8 =	sadd.s32 $0x17200, s11;
	s9 =	sadd.s32 $0x48400, s10;
	s10 =	smax.u32 s13, $0x1  }
0xf: {  	s11 =	sshrl.u32 s12, $0x3;
	s12 =	simm.s32 $0x2;
	s13 =	simm.s32 $0x2800  }
.LBB2_1:
0x10: {  	[spmem:s11], [sflag:s6] =	dma.local [hbm:s5], $0x2780  }
0x11: {  	_ =	swait.ge [sflag:s12], $0x2780  }
0x12: {  	[sflag:s12] =	ssyncset.done $0x0  }
0x13: {  	[sflag:s12] =	ssyncadd.s32 $0xFFFFD880  }
0x14: {  	[tilespmem:s3], [sflag:$0x2] =	stream.linear.gather [hbm4b:s7+s3], $0x2780, $0x38;
	[tilespmem:$0x1CC00] =	vst v63  }
0x15: {  	_ =	swait.ge [sflag:s12], $0x2780  }
0x16: {  	[sflag:s12] =	ssyncset.done $0x0  }
0x17: {  	[sflag:s12] =	ssyncadd.s32 $0xFFFFD880  }
0x18: {  	[tilespmem:s13], [sflag:$0x2] =	stream.linear.gather [hbm4b:s8+s3], $0x2780, $0x38;
	[tilespmem:$0x1CC00] =	vst v63  }
0x19: {  	_ =	swait.ge [sflag:s12], $0x2780  }
0x1a: {  	[sflag:s12] =	ssyncset.done $0x0  }
0x1b: {  	[sflag:s12] =	ssyncadd.s32 $0xFFFFD880  }
0x1c: {  	s18 =	simm.s32 $0x0;
	[bflag:$0x0] =	sbarrier.arrive $0xFFFF  }
0x1d: {  	[tilespmem:s15], [sflag:$0x1] =	stream.indirect.gather [hbm4b:s4+s14], $0x80, s18, s14, $0xb8;
	[tilespmem:$0x1CC00] =	vst v63  }
0x1e: {  	_ =	swait.ge [sflag:s16], $0x4000  }
0x1f: {  	[sflag:s16] =	ssyncset.done $0x0  }
0x20: {  	s31 =	simm.s32 $0x2800;
	[sflag:s16] =	ssyncadd.s32 $0xFFFFC000  }
0x21: {  	[spmem:s2] =	stream.indirect.scatter.add.f32 [tilespmem:s15], [sflag:$0x2], $0x80, s31, s14, $0xb8;
	[tilespmem:$0x1CC00] =	vst v63  }
0x22: {  	_ =	swait.ge [sflag:s12], $0x4000  }
0x23: {  	s19 =	simm.s32 $0x400;
	s18 =	simm.s32 $0x200;
	[sflag:s12] =	ssyncset.done $0x0  }
.LBB2_2:
0x24: {  	s20 =	sshra.s32 s18, $0x2  }
0x25: {  	[sflag:s12] =	ssyncadd.s32 $0xFFFFC000;
	s18 =	smov.u32 s19;
	s21 =	sadd.s32 $0x200, s19  }
0x26: {  	[tilespmem:s15], [sflag:$0x1] =	stream.indirect.gather [hbm4b:s4+s14], $0x80, s20, s14, $0xb8;
	[tilespmem:$0x1CC00] =	vst v63  }
0x27: {  	p0 =	sne.s32 s19, $0x9C00;
	_ =	swait.ge [sflag:s16], $0x4000  }
.Ltmp0:
0x28: {  	[sflag:s16] =	ssyncset.done $0x0;
	(pc) =	sbr.rel @p0 .LBB2_2-.Ltmp0, $4  }
0x29: {  	s19 =	sadd.s32 $0x2800, s20;
	[sflag:s16] =	ssyncadd.s32 $0xFFFFC000  }
0x2a: {  	[spmem:s2] =	stream.indirect.scatter.add.f32 [tilespmem:s15], [sflag:$0x2], $0x80, s19, s14, $0xb8;
	[tilespmem:$0x1CC00] =	vst v63  }
0x2b: {  	_ =	swait.ge [sflag:s12], $0x4000  }
0x2c: {  	s19 =	smov.u32 s21;
	[sflag:s12] =	ssyncset.done $0x0  }
0x2d: {  	s18 =	sshra.s32 s18, $0x2;
	[sflag:s12] =	ssyncadd.s32 $0xFFFFC000  }
0x2e: {  	[tilespmem:s15], [sflag:$0x1] =	stream.indirect.gather [hbm4b:s4+s14], $0x80, s18, s14, $0xb8;
	[tilespmem:$0x1CC00] =	vst v63  }
0x2f: {  	_ =	swait.ge [sflag:s16], $0x4000  }
0x30: {  	[sflag:s16] =	ssyncset.done $0x0  }
0x31: {  	s18 =	sadd.s32 $0x2800, s18;
	[sflag:s16] =	ssyncadd.s32 $0xFFFFC000  }
0x32: {  	[spmem:s2] =	stream.indirect.scatter.add.f32 [tilespmem:s15], [sflag:$0x2], $0x80, s18, s14, $0xb8;
	[tilespmem:$0x1CC00] =	vst v63  }
0x33: {  	_ =	swait.ge [sflag:s12], $0x4000  }
0x34: {  	s17 =	sadd.s32 $0x1, s17;
	[sflag:s12] =	ssyncset.done $0x0  }
0x35: {  	p0 =	sne.s32 s17, s10;
	[sflag:s12] =	ssyncadd.s32 $0xFFFFC000  }
.Ltmp1:
0x36: {  	[bflag:$0x0] =	sbarrier.arrive $0xFFFF;
	(pc) =	sbr.rel @p0 .LBB2_1-.Ltmp1, $4  }
0x37: {  	[hbm:s9], [sflag:s6] =	dma.local [spmem:s11], $0x2780  }
0x38: {  	_ =	swait.ge [sflag:s12], $0x2780  }
0x39: {  	[sflag:s12] =	ssyncset.done $0x0  }
0x3a: {  	[sflag:s12] =	ssyncadd.s32 $0xFFFFD880  }
0x3b: {  	_ =	sfence.sel $0x180000  }
0x3c: {  	[bflag:$0x0] =	sbarrier.arrive $0xFFFF  }
0x3d: {  	p0 =	sne.s32 s0, $0x0;
	_ =	strace $0x9000004A  }
0x3e: {  	s0 =	sadd.s32 @!p0 $0x100000, s1;
	[bflag:$0x2] =	sbarrier.arrive $0xFFFF  }
0x3f: {  	[sflag:s0] =	ssyncadd.tile.s32 @!p0 $0x1;
	_ =	shalt  }
.Lfunc_end2:
_tile_overlayer_lowered:
.L_overlay_start_2:
0x40: {  	(tag) =	ssettag $0x2  }
0x41: {  	s0 =	rddreg [dreg:$0x0];
	s2 =	stileid.u32  }
0x42: {  	s1 =	rddreg [dreg:$0x1];
	p0 =	sne.s32 s2, $0x0  }
0x43: {  	s3 =	rddreg [dreg:$0x2];
	[bflag:$0x3] =	sbarrier.arrive $0xFFFF;
	s2 =	simm.s32 @!p0 $0x1C02  }
0x44: {  	[timem:s3], [sflag:s2] =	dma.local @!p0 [hbm:s0], s1  }
0x45: {  	s0 =	simm.s32 @!p0 $0x2  }
0x46: {  	_ =	swait.ge @!p0 [sflag:s0], s1  }
0x47: {  	s1 =	ssub.s32 @!p0 $0x0, s1;
	[sflag:s0] =	ssyncset.done @!p0 $0x0  }
0x48: {  	[sflag:s0] =	ssyncadd.s32 @!p0 s1  }
0x49: {  	[bflag:$0x3] =	sbarrier.arrive $0xFFFF  }
0x4a: {  	_ =	shalt  }

// kernel: kernel.16.cloned.1.call-start
scs
__scs_entry_jumppad:
0x0: {  	(pc) =	sbr.rel $0x88, $3  }
0x1: {  	(tag) =	ssettag $0x0;
	lr =	simm.s32 $0x1  }
0x2: {  	[smem:$0x3F95] =	sst lr;
	_ =	strace $0xD0000000  }
0x3: {  	_ = 	snop  }
0x4: {  	_ = 	snop  }
0x5: {  	_ = 	snop  }
0x6: {  	_ = 	snop  }
0x7: {  	_ = 	snop  }
__scs_overlays_trampoline_lowered:
0x8: {  	[smem:$0x3FA4] =	sst s0  }
0x9: {  	[smem:$0x3FA5] =	sst s1  }
0xa: {  	[smem:$0x3FA6] =	sst s2  }
0xb: {  	[smem:$0x3FA7] =	sst s3  }
0xc: {  	[smem:$0x3FA8] =	sst s4  }
0xd: {  	[smem:$0x3FA9] =	sst s5  }
0xe: {  	[smem:$0x3FAA] =	sst s6  }
0xf: {  	[smem:$0x3FAB] =	sst s7  }
0x10: {  	[smem:$0x3FAC] =	sst s8  }
0x11: {  	[smem:$0x3FAD] =	sst s9;
	s0 =	simm.s32 @!p0 $0x0  }
0x12: {  	s1 =	sld [smem:$0x3F93];
	s0 =	simm.s32 @p0 $0x1  }
0x13: {  	[smem:$0x3FAE] =	sst s0;
	s0 =	simm.s32 @!p1 $0x0  }
0x14: {  	s2 =	sld [smem:$0x3F92];
	s0 =	simm.s32 @p1 $0x1  }
0x15: {  	[smem:$0x3FAF] =	sst s0;
	s0 =	simm.s32 @!p2 $0x0  }
0x16: {  	s3 =	sld [smem:$0x3FDB];
	s0 =	simm.s32 @p2 $0x1  }
0x17: {  	s4 =	simm.s32 $0x1BF5;
	[smem:$0x3FB1] =	sst s0  }
0x18: {  	s0 =	sld [smem:$0x3F94];
	_ =	swait.ge [sflag:s4], $0x0  }
0x19: {  	s7 =	sld [smem:$0x3F95]  }
0x1a: {  	s8 =	sadd.s32 $0xFFFFE003, lr  }
0x1b: {  	s9 =	sadd.s32 $0xFFFFFEF7, lr;
	s5 =	simm.s32 $0xFFFFFFFF;
	p2 =	slt.u32 s8, $0xFFFFF086  }
0x1c: {  	p1 =	slt.u32 s9, $0xF7A;
	s5 =	simm.s32 @!p2 $0x0  }
0x1d: {  	s5 =	simm.s32 @p1 $0x1;
	p0 =	seq.s32 s7, s2  }
0x1e: {  	s7 =	smul.u32 @!p0 $0xF7A, s2;
	p2 =	seq.s32 @!p0 s5, $0x0  }
0x1f: {  	s9 =	smul.u32 $0xF7A, s1;
	s8 =	simm.s32 @!p0 $0x1BF5;
	p2 =	por !p2, p0  }
0x20: {  	[sflag:s8] =	ssyncset.s32 @!p0 $0xFFFFF086;
	s6 =	sadd.s32 @!p0 s3, s7;
	s7 =	simm.s32 @!p0 $0x108  }
0x21: {  	s3 =	sadd.s32 s3, s9;
	s6 =	sadd.s32 @!p0 $0x88, s6;
	s7 =	simm.s32 @p2 $0x1082  }
0x22: {  	[simem:s7], [sflag:s8] =	dma.local @!p0 [hbm:s6], $0xF7A  }
0x23: {  	s9 =	sor.u32 $0xD0000000, s2;
	s6 =	simm.s32 $0x108;
	_ =	swait.ge @!p0 [sflag:s8], $0x0  }
0x24: {  	s3 =	sadd.s32 $0x88, s3;
	s6 =	simm.s32 @!p1 $0x1082;
	[sflag:s4] =	ssyncset.s32 $0xFFFFF086  }
0x25: {  	[simem:s6], [sflag:s4] =	dma.local [hbm:s3], $0xF7A  }
0x26: {  	[smem:$0x3F95] =	sst s1;
	(tag) =	ssettag s2;
	_ =	strace s9  }
0x27: {  	s1 =	sld [smem:$0x3FA5]  }
0x28: {  	s2 =	sld [smem:$0x3FA6]  }
0x29: {  	s4 =	sld [smem:$0x3FA8]  }
0x2a: {  	p0 =	seq.s32 s5, $0x0;
	s5 =	sld [smem:$0x3FA9]  }
0x2b: {  	s6 =	sld [smem:$0x3FAA]  }
0x2c: {  	s7 =	sld [smem:$0x3FAB]  }
0x2d: {  	s3 =	simm.s32 $0x108;
	s8 =	sld [smem:$0x3FAC]  }
0x2e: {  	s3 =	simm.s32 @!p0 $0x1082;
	s9 =	sld [smem:$0x3FAD]  }
0x2f: {  	lr =	sadd.s32 s0, s3;
	s0 =	sld [smem:$0x3FA4]  }
0x30: {  	s3 =	sld [smem:$0x3FA7]  }
0x31: {  	[smem:$0x3FB0] =	sst s10  }
0x32: {  	s10 =	sld [smem:$0x3FAE];
	_ =	sdelay $0x3  }
0x33: {  	p0 =	seq.s32 s10, $0x1;
	s10 =	sld [smem:$0x3FB0];
	_ =	sdelay $0x3  }
0x34: {  	[smem:$0x3FB0] =	sst s10  }
0x35: {  	s10 =	sld [smem:$0x3FAF];
	_ =	sdelay $0x3  }
0x36: {  	p1 =	seq.s32 s10, $0x1;
	s10 =	sld [smem:$0x3FB0];
	_ =	sdelay $0x3  }
0x37: {  	[smem:$0x3FB0] =	sst s10  }
0x38: {  	s10 =	sld [smem:$0x3FB1]  }
0x39: {  	_ = 	snop;
	(pc) =	sbr.ind lr, $3  }
0x3a: {  	_ = 	snop  }
0x3b: {  	_ = 	snop  }
0x3c: {  	p2 =	seq.s32 s10, $0x1;
	s10 =	sld [smem:$0x3FB0]  }
0x3d: {  	_ =	shalt  }
0x3e: {  	_ =	shalt  }
0x3f: {  	_ =	shalt  }
0x40: {  	_ =	shalt  }
0x41: {  	_ =	shalt  }
0x42: {  	_ =	shalt  }
0x43: {  	_ =	shalt  }
0x44: {  	_ =	shalt  }
0x45: {  	_ =	shalt  }
0x46: {  	_ =	shalt  }
0x47: {  	_ =	shalt  }
0x48: {  	_ =	shalt  }
0x49: {  	_ =	shalt  }
0x4a: {  	_ =	shalt  }
0x4b: {  	_ =	shalt  }
0x4c: {  	_ =	shalt  }
0x4d: {  	_ =	shalt  }
0x4e: {  	_ =	shalt  }
0x4f: {  	_ =	shalt  }
0x50: {  	_ =	shalt  }
0x51: {  	_ =	shalt  }
0x52: {  	_ =	shalt  }
0x53: {  	_ =	shalt  }
0x54: {  	_ =	shalt  }
0x55: {  	_ =	shalt  }
0x56: {  	_ =	shalt  }
0x57: {  	_ =	shalt  }
0x58: {  	_ =	shalt  }
0x59: {  	_ =	shalt  }
0x5a: {  	_ =	shalt  }
0x5b: {  	_ =	shalt  }
0x5c: {  	_ =	shalt  }
0x5d: {  	_ =	shalt  }
0x5e: {  	_ =	shalt  }
0x5f: {  	_ =	shalt  }
0x60: {  	_ =	shalt  }
0x61: {  	_ =	shalt  }
0x62: {  	_ =	shalt  }
0x63: {  	_ =	shalt  }
0x64: {  	_ =	shalt  }
0x65: {  	_ =	shalt  }
0x66: {  	_ =	shalt  }
0x67: {  	_ =	shalt  }
0x68: {  	_ =	shalt  }
0x69: {  	_ =	shalt  }
0x6a: {  	_ =	shalt  }
0x6b: {  	_ =	shalt  }
0x6c: {  	_ =	shalt  }
0x6d: {  	_ =	shalt  }
0x6e: {  	_ =	shalt  }
0x6f: {  	_ =	shalt  }
0x70: {  	_ =	shalt  }
0x71: {  	_ =	shalt  }
0x72: {  	_ =	shalt  }
0x73: {  	_ =	shalt  }
0x74: {  	_ =	shalt  }
0x75: {  	_ =	shalt  }
0x76: {  	_ =	shalt  }
0x77: {  	_ =	shalt  }
0x78: {  	_ =	shalt  }
0x79: {  	_ =	shalt  }
0x7a: {  	_ =	shalt  }
0x7b: {  	_ =	shalt  }
0x7c: {  	_ =	shalt  }
0x7d: {  	_ =	shalt  }
0x7e: {  	_ =	shalt  }
0x7f: {  	_ =	shalt  }
0x80: {  	_ =	shalt  }
0x81: {  	_ =	shalt  }
0x82: {  	_ =	shalt  }
0x83: {  	_ =	shalt  }
0x84: {  	_ =	shalt  }
0x85: {  	_ =	shalt  }
0x86: {  	_ =	shalt  }
0x87: {  	_ =	shalt  }
.Lfunc_end0:
.L_simem_size_0:
called_computation.2_lowered:
.L_overlay_start_0:
0x88: {  	s2 =	sld [smem:$0x3FD9]  }
0x89: {  	s3 =	sld [smem:$0x3FFE];
	_ =	sdelay $0x1  }
0x8a: {  	s1 =	srdreg.scid  }
0x8b: {  	s0 =	sand.u32 $0x1, s1  }
0x8c: {  	s17 =	sshll.u32 s0, $0xA;
	s2 =	sadd.s32 s3, s2  }
0x8d: {  	s2 =	sadd.s32 s2, s17  }
0x8e: {  	[smem:$0x3FBC] =	sst s2  }
0x8f: {  	_ = 	snop  }
0x90: {  	s2 =	sld [smem:$0x3FD0];
	(tm) =	ssettm $0x1  }
0x91: {  	s18 =	sld [smem:$0x3FFB];
	_ =	sdelay $0x3  }
0x92: {  	_ =	strace s18  }
0x93: {  	s3 =	sld [smem:$0x3FFC];
	_ =	sdelay $0x3  }
0x94: {  	_ =	strace s3  }
0x95: {  	s3 =	sld [smem:$0x3FFD];
	_ =	sdelay $0x3  }
0x96: {  	_ =	strace s3  }
0x97: {  	_ =	strace $0x8FFFFFFF  }
0x98: {  	s19 =	sld [smem:$0x3FDB];
	_ =	sdelay $0x1  }
0x99: {  	s4 =	simm.s32 $_scs_section_size  }
0x9a: {  	s5 =	simm.s32 $_size__tile_overlayer_lowered;
	s6 =	simm.s32 $_tile_overlayer_lowered  }
0x9b: {  	s22 =	simm.s32 $0x1BFF;
	s21 =	sshll.u32 s6, $0x1;
	s3 =	sadd.s32 s4, s19  }
0x9c: {  	s7 =	simm.s32 $0x0;
	s20 =	sshll.u32 s5, $0x1;
	s5 =	sadd.s32 s21, s3  }
0x9d: {  	[timem:s7], [sflag:s22] =	dma.local [hbm:s5], s20  }
0x9e: {  	_ =	swait.ge [sflag:s22], s20  }
0x9f: {  	s4 =	ssub.s32 $0x0, s20;
	[sflag:s22] =	ssyncset.done $0x0  }
0xa0: {  	[sflag:s22] =	ssyncadd.s32 s4;
	_ =	sdelay $0x1  }
0xa1: {  	s23 =	simm.s32 $0x1B8B  }
0xa2: {  	_ =	swait.ge [sflag:s23], $0x1  }
0xa3: {  	[sflag:s23] =	ssyncset.done $0x0  }
0xa4: {  	s25 =	simm.s32 $0x1B8E;
	s24 =	sld [smem:$0x3FFE];
	[sflag:s23] =	ssyncadd.s32 $0xFFFFFFFF  }
0xa5: {  	s26 =	simm.s32 $execute0_lowered;
	[smem:$0x3FD2] =	sst s25  }
0xa6: {  	s5 =	sshll.u32 s26, $0x1;
	_ =	strace $0x8000004C;
	[dreg:$0x1] =	wrdreg $0xFFFFFFFF  }
0xa7: {  	s28 =	simm.s32 $_size_execute0_lowered;
	s3 =	sadd.s32 s3, s5;
	[dreg:$0x0] =	wrdreg $0x0  }
0xa8: {  	s5 =	sshll.u32 s28, $0x1;
	[dreg:$0x2] =	wrdreg s3  }
0xa9: {  	[dreg:$0x3] =	wrdreg s5  }
0xaa: {  	[dreg:$0x4] =	wrdreg $0xC0  }
0xab: {  	_ =	task [dreg:s7], $0x5FFFF  }
0xac: {  	[dreg:$0x1] =	wrdreg $0xFFFFFFFF  }
0xad: {  	[dreg:$0x0] =	wrdreg $0x60  }
0xae: {  	[dreg:$0x2] =	wrdreg s2  }
0xaf: {  	[dreg:$0x3] =	wrdreg s24  }
0xb0: {  	[dreg:$0x4] =	wrdreg $0x90000  }
0xb1: {  	[dreg:$0x5] =	wrdreg $0x9  }
0xb2: {  	_ =	task.clear_ibuf [dreg:s7], $0x6FFFF;
	_ =	strace $0x9000004C  }
0xb3: {  	s29 =	simm.s32 $0x9;
	_ =	strace $0x8000004E  }
0xb4: {  	_ =	swait.ge [sflag:s29], $0x1  }
0xb5: {  	[sflag:s29] =	ssyncadd.s32 $0xFFFFFFFF  }
0xb6: {  	_ =	strace $0x9000004E  }
0xb7: {  	_ =	sfence  }
0xb8: {  	s30 =	sld [smem:$0x0];
	_ =	sdelay $0x2  }
0xb9: {  	s31 =	sshll.u32 s1, $0xD;
	s1 =	sshrl.u32 s1, $0x2  }
0xba: {  	s3 =	sand.u32 $0x4000, s31;
	s1 =	sadd.s32 s1, s30  }
0xbb: {  	s0 =	sor.u32 s3, s0;
	s1 =	sshll.u32 s1, $0x11  }
0xbc: {  	s0 =	sor.u32 s1, s0  }
0xbd: {  	s0 =	sadd.s32 $0x8F2B, s0  }
0xbe: {  	[sflag:s0] =	ssyncadd.remote.s32 $0x1  }
0xbf: {  	_ =	sfence.sel $0xFFFF  }
0xc0: {  	[dreg:$0x0] =	wrdreg $0xFFFFFFFF;
	(pc) =	sbr.abs _section_cstart, $3  }
0xc1: {  	[dreg:$0x1] =	wrdreg $0xFFFFFFFF  }
0xc2: {  	_ =	task.clear_ibuf [dreg:s7], $0x2FFFF;
	_ =	strace $0x9FFFFFFF  }
0xc3: {  	(tm) =	ssettm $0x7FFFFFFF  }
tec
execute0_lowered:
.L_overlay_start_1:
0x0: {  	(tag) =	ssettag $0x1  }
0x1: {  	s7 =	rddreg [dreg:$0x0]  }
0x2: {  	s8 =	rddreg [dreg:$0x1]  }
0x3: {  	s0 =	srdreg.scid;
	s2 =	rddreg [dreg:$0x2]  }
0x4: {  	s3 =	simm.s32 $0x0;
	s14 =	simm.s32 $0x80;
	s15 =	simm.s32 $0x5000  }
0x5: {  	s16 =	simm.s32 $0x1;
	s6 =	sand.u32 $0x1, s0;
	s0 =	stileid.u32  }
0x6: {  	s17 =	simm.s32 $0x0;
	[smem:$0x7FF] =	sst s3;
	s5 =	smul.u32 $0x13C000, s6  }
0x7: {  	s4 =	sadd.s32 $0x21200, s8;
	s1 =	sshll.u32 s6, $0x4;
	s10 =	smul.u32 $0x13C00, s0  }
0x8: {  	s12 =	smul.u32 $0x4F000, s0;
	s6 =	ssub.s32 $0x2, s6;
	s1 =	sor.u32 s0, s1  }
0x9: {  	s31 =	sshll.u32 s0, $0x6;
	s30 =	sshrl.u32 s6, $0x1;
	s9 =	smul.u32 $0x500, s1  }
0xa: {  	s1 =	rddreg [dreg:$0x3];
	_ =	strace $0x8000004D;
	s10 =	sadd.s32 s10, s5  }
0xb: {  	s5 =	sadd.s32 $0xCC00, s8;
	s12 =	sshrl.u32 s12, $0x2;
	s13 =	ssub.s32 s6, s30  }
0xc: {  	s6 =	sor.u32 $0x1C02, s31;
	s10 =	sshrl.u32 s10, $0x3;
	s12 =	sadd.s32 s12, s2  }
0xd: {  	s11 =	sadd.s32 s9, s8;
	s10 =	sadd.s32 s10, s8;
	s7 =	sadd.s32 s7, s9  }
0xe: {  	s8 =	sadd.s32 $0x17200, s11;
	s9 =	sadd.s32 $0x48400, s10;
	s10 =	smax.u32 s13, $0x1  }
0xf: {  	s11 =	sshrl.u32 s12, $0x3;
	s12 =	simm.s32 $0x2;
	s13 =	simm.s32 $0x2800  }
.LBB2_1:
0x10: {  	[spmem:s11], [sflag:s6] =	dma.local [hbm:s5], $0x2780  }
0x11: {  	_ =	swait.ge [sflag:s12], $0x2780  }
0x12: {  	[sflag:s12] =	ssyncset.done $0x0  }
0x13: {  	[sflag:s12] =	ssyncadd.s32 $0xFFFFD880  }
0x14: {  	[tilespmem:s3], [sflag:$0x2] =	stream.linear.gather [hbm4b:s7+s3], $0x2780, $0x38;
	[tilespmem:$0x1CC00] =	vst v63  }
0x15: {  	_ =	swait.ge [sflag:s12], $0x2780  }
0x16: {  	[sflag:s12] =	ssyncset.done $0x0  }
0x17: {  	[sflag:s12] =	ssyncadd.s32 $0xFFFFD880  }
0x18: {  	[tilespmem:s13], [sflag:$0x2] =	stream.linear.gather [hbm4b:s8+s3], $0x2780, $0x38;
	[tilespmem:$0x1CC00] =	vst v63  }
0x19: {  	_ =	swait.ge [sflag:s12], $0x2780  }
0x1a: {  	[sflag:s12] =	ssyncset.done $0x0  }
0x1b: {  	[sflag:s12] =	ssyncadd.s32 $0xFFFFD880  }
0x1c: {  	s18 =	simm.s32 $0x0;
	[bflag:$0x0] =	sbarrier.arrive $0xFFFF  }
0x1d: {  	[tilespmem:s15], [sflag:$0x1] =	stream.indirect.gather [hbm4b:s4+s14], $0x80, s18, s14, $0xb8;
	[tilespmem:$0x1CC00] =	vst v63  }
0x1e: {  	_ =	swait.ge [sflag:s16], $0x4000  }
0x1f: {  	[sflag:s16] =	ssyncset.done $0x0  }
0x20: {  	s31 =	simm.s32 $0x2800;
	[sflag:s16] =	ssyncadd.s32 $0xFFFFC000  }
0x21: {  	[spmem:s2] =	stream.indirect.scatter.add.f32 [tilespmem:s15], [sflag:$0x2], $0x80, s31, s14, $0xb8;
	[tilespmem:$0x1CC00] =	vst v63  }
0x22: {  	_ =	swait.ge [sflag:s12], $0x4000  }
0x23: {  	s19 =	simm.s32 $0x400;
	s18 =	simm.s32 $0x200;
	[sflag:s12] =	ssyncset.done $0x0  }
.LBB2_2:
0x24: {  	s20 =	sshra.s32 s18, $0x2  }
0x25: {  	[sflag:s12] =	ssyncadd.s32 $0xFFFFC000;
	s18 =	smov.u32 s19;
	s21 =	sadd.s32 $0x200, s19  }
0x26: {  	[tilespmem:s15], [sflag:$0x1] =	stream.indirect.gather [hbm4b:s4+s14], $0x80, s20, s14, $0xb8;
	[tilespmem:$0x1CC00] =	vst v63  }
0x27: {  	p0 =	sne.s32 s19, $0x9C00;
	_ =	swait.ge [sflag:s16], $0x4000  }
.Ltmp0:
0x28: {  	[sflag:s16] =	ssyncset.done $0x0;
	(pc) =	sbr.rel @p0 .LBB2_2-.Ltmp0, $4  }
0x29: {  	s19 =	sadd.s32 $0x2800, s20;
	[sflag:s16] =	ssyncadd.s32 $0xFFFFC000  }
0x2a: {  	[spmem:s2] =	stream.indirect.scatter.add.f32 [tilespmem:s15], [sflag:$0x2], $0x80, s19, s14, $0xb8;
	[tilespmem:$0x1CC00] =	vst v63  }
0x2b: {  	_ =	swait.ge [sflag:s12], $0x4000  }
0x2c: {  	s19 =	smov.u32 s21;
	[sflag:s12] =	ssyncset.done $0x0  }
0x2d: {  	s18 =	sshra.s32 s18, $0x2;
	[sflag:s12] =	ssyncadd.s32 $0xFFFFC000  }
0x2e: {  	[tilespmem:s15], [sflag:$0x1] =	stream.indirect.gather [hbm4b:s4+s14], $0x80, s18, s14, $0xb8;
	[tilespmem:$0x1CC00] =	vst v63  }
0x2f: {  	_ =	swait.ge [sflag:s16], $0x4000  }
0x30: {  	[sflag:s16] =	ssyncset.done $0x0  }
0x31: {  	s18 =	sadd.s32 $0x2800, s18;
	[sflag:s16] =	ssyncadd.s32 $0xFFFFC000  }
0x32: {  	[spmem:s2] =	stream.indirect.scatter.add.f32 [tilespmem:s15], [sflag:$0x2], $0x80, s18, s14, $0xb8;
	[tilespmem:$0x1CC00] =	vst v63  }
0x33: {  	_ =	swait.ge [sflag:s12], $0x4000  }
0x34: {  	s17 =	sadd.s32 $0x1, s17;
	[sflag:s12] =	ssyncset.done $0x0  }
0x35: {  	p0 =	sne.s32 s17, s10;
	[sflag:s12] =	ssyncadd.s32 $0xFFFFC000  }
.Ltmp1:
0x36: {  	[bflag:$0x0] =	sbarrier.arrive $0xFFFF;
	(pc) =	sbr.rel @p0 .LBB2_1-.Ltmp1, $4  }
0x37: {  	[hbm:s9], [sflag:s6] =	dma.local [spmem:s11], $0x2780  }
0x38: {  	_ =	swait.ge [sflag:s12], $0x2780  }
0x39: {  	[sflag:s12] =	ssyncset.done $0x0  }
0x3a: {  	[sflag:s12] =	ssyncadd.s32 $0xFFFFD880  }
0x3b: {  	_ =	sfence.sel $0x180000  }
0x3c: {  	[bflag:$0x0] =	sbarrier.arrive $0xFFFF  }
0x3d: {  	p0 =	sne.s32 s0, $0x0;
	_ =	strace $0x9000004D  }
0x3e: {  	s0 =	sadd.s32 @!p0 $0x100000, s1;
	[bflag:$0x2] =	sbarrier.arrive $0xFFFF  }
0x3f: {  	[sflag:s0] =	ssyncadd.tile.s32 @!p0 $0x1;
	_ =	shalt  }
.Lfunc_end2:
_tile_overlayer_lowered:
.L_overlay_start_2:
0x40: {  	(tag) =	ssettag $0x2  }
0x41: {  	s0 =	rddreg [dreg:$0x0];
	s2 =	stileid.u32  }
0x42: {  	s1 =	rddreg [dreg:$0x1];
	p0 =	sne.s32 s2, $0x0  }
0x43: {  	s3 =	rddreg [dreg:$0x2];
	[bflag:$0x3] =	sbarrier.arrive $0xFFFF;
	s2 =	simm.s32 @!p0 $0x1C02  }
0x44: {  	[timem:s3], [sflag:s2] =	dma.local @!p0 [hbm:s0], s1  }
0x45: {  	s0 =	simm.s32 @!p0 $0x2  }
0x46: {  	_ =	swait.ge @!p0 [sflag:s0], s1  }
0x47: {  	s1 =	ssub.s32 @!p0 $0x0, s1;
	[sflag:s0] =	ssyncset.done @!p0 $0x0  }
0x48: {  	[sflag:s0] =	ssyncadd.s32 @!p0 s1  }
0x49: {  	[bflag:$0x3] =	sbarrier.arrive $0xFFFF  }
0x4a: {  	_ =	shalt  }

// kernel: kernel.19.cloned.1.call-start
scs
__scs_entry_jumppad:
0x0: {  	(pc) =	sbr.rel $0x88, $3  }
0x1: {  	(tag) =	ssettag $0x0;
	lr =	simm.s32 $0x1  }
0x2: {  	[smem:$0x3F95] =	sst lr;
	_ =	strace $0xD0000000  }
0x3: {  	_ = 	snop  }
0x4: {  	_ = 	snop  }
0x5: {  	_ = 	snop  }
0x6: {  	_ = 	snop  }
0x7: {  	_ = 	snop  }
__scs_overlays_trampoline_lowered:
0x8: {  	[smem:$0x3FA4] =	sst s0  }
0x9: {  	[smem:$0x3FA5] =	sst s1  }
0xa: {  	[smem:$0x3FA6] =	sst s2  }
0xb: {  	[smem:$0x3FA7] =	sst s3  }
0xc: {  	[smem:$0x3FA8] =	sst s4  }
0xd: {  	[smem:$0x3FA9] =	sst s5  }
0xe: {  	[smem:$0x3FAA] =	sst s6  }
0xf: {  	[smem:$0x3FAB] =	sst s7  }
0x10: {  	[smem:$0x3FAC] =	sst s8  }
0x11: {  	[smem:$0x3FAD] =	sst s9;
	s0 =	simm.s32 @!p0 $0x0  }
0x12: {  	s1 =	sld [smem:$0x3F93];
	s0 =	simm.s32 @p0 $0x1  }
0x13: {  	[smem:$0x3FAE] =	sst s0;
	s0 =	simm.s32 @!p1 $0x0  }
0x14: {  	s2 =	sld [smem:$0x3F92];
	s0 =	simm.s32 @p1 $0x1  }
0x15: {  	[smem:$0x3FAF] =	sst s0;
	s0 =	simm.s32 @!p2 $0x0  }
0x16: {  	s3 =	sld [smem:$0x3FDB];
	s0 =	simm.s32 @p2 $0x1  }
0x17: {  	s4 =	simm.s32 $0x1BF5;
	[smem:$0x3FB1] =	sst s0  }
0x18: {  	s0 =	sld [smem:$0x3F94];
	_ =	swait.ge [sflag:s4], $0x0  }
0x19: {  	s7 =	sld [smem:$0x3F95]  }
0x1a: {  	s8 =	sadd.s32 $0xFFFFE003, lr  }
0x1b: {  	s9 =	sadd.s32 $0xFFFFFEF7, lr;
	s5 =	simm.s32 $0xFFFFFFFF;
	p2 =	slt.u32 s8, $0xFFFFF086  }
0x1c: {  	p1 =	slt.u32 s9, $0xF7A;
	s5 =	simm.s32 @!p2 $0x0  }
0x1d: {  	s5 =	simm.s32 @p1 $0x1;
	p0 =	seq.s32 s7, s2  }
0x1e: {  	s7 =	smul.u32 @!p0 $0xF7A, s2;
	p2 =	seq.s32 @!p0 s5, $0x0  }
0x1f: {  	s9 =	smul.u32 $0xF7A, s1;
	s8 =	simm.s32 @!p0 $0x1BF5;
	p2 =	por !p2, p0  }
0x20: {  	[sflag:s8] =	ssyncset.s32 @!p0 $0xFFFFF086;
	s6 =	sadd.s32 @!p0 s3, s7;
	s7 =	simm.s32 @!p0 $0x108  }
0x21: {  	s3 =	sadd.s32 s3, s9;
	s6 =	sadd.s32 @!p0 $0x88, s6;
	s7 =	simm.s32 @p2 $0x1082  }
0x22: {  	[simem:s7], [sflag:s8] =	dma.local @!p0 [hbm:s6], $0xF7A  }
0x23: {  	s9 =	sor.u32 $0xD0000000, s2;
	s6 =	simm.s32 $0x108;
	_ =	swait.ge @!p0 [sflag:s8], $0x0  }
0x24: {  	s3 =	sadd.s32 $0x88, s3;
	s6 =	simm.s32 @!p1 $0x1082;
	[sflag:s4] =	ssyncset.s32 $0xFFFFF086  }
0x25: {  	[simem:s6], [sflag:s4] =	dma.local [hbm:s3], $0xF7A  }
0x26: {  	[smem:$0x3F95] =	sst s1;
	(tag) =	ssettag s2;
	_ =	strace s9  }
0x27: {  	s1 =	sld [smem:$0x3FA5]  }
0x28: {  	s2 =	sld [smem:$0x3FA6]  }
0x29: {  	s4 =	sld [smem:$0x3FA8]  }
0x2a: {  	p0 =	seq.s32 s5, $0x0;
	s5 =	sld [smem:$0x3FA9]  }
0x2b: {  	s6 =	sld [smem:$0x3FAA]  }
0x2c: {  	s7 =	sld [smem:$0x3FAB]  }
0x2d: {  	s3 =	simm.s32 $0x108;
	s8 =	sld [smem:$0x3FAC]  }
0x2e: {  	s3 =	simm.s32 @!p0 $0x1082;
	s9 =	sld [smem:$0x3FAD]  }
0x2f: {  	lr =	sadd.s32 s0, s3;
	s0 =	sld [smem:$0x3FA4]  }
0x30: {  	s3 =	sld [smem:$0x3FA7]  }
0x31: {  	[smem:$0x3FB0] =	sst s10  }
0x32: {  	s10 =	sld [smem:$0x3FAE];
	_ =	sdelay $0x3  }
0x33: {  	p0 =	seq.s32 s10, $0x1;
	s10 =	sld [smem:$0x3FB0];
	_ =	sdelay $0x3  }
0x34: {  	[smem:$0x3FB0] =	sst s10  }
0x35: {  	s10 =	sld [smem:$0x3FAF];
	_ =	sdelay $0x3  }
0x36: {  	p1 =	seq.s32 s10, $0x1;
	s10 =	sld [smem:$0x3FB0];
	_ =	sdelay $0x3  }
0x37: {  	[smem:$0x3FB0] =	sst s10  }
0x38: {  	s10 =	sld [smem:$0x3FB1]  }
0x39: {  	_ = 	snop;
	(pc) =	sbr.ind lr, $3  }
0x3a: {  	_ = 	snop  }
0x3b: {  	_ = 	snop  }
0x3c: {  	p2 =	seq.s32 s10, $0x1;
	s10 =	sld [smem:$0x3FB0]  }
0x3d: {  	_ =	shalt  }
0x3e: {  	_ =	shalt  }
0x3f: {  	_ =	shalt  }
0x40: {  	_ =	shalt  }
0x41: {  	_ =	shalt  }
0x42: {  	_ =	shalt  }
0x43: {  	_ =	shalt  }
0x44: {  	_ =	shalt  }
0x45: {  	_ =	shalt  }
0x46: {  	_ =	shalt  }
0x47: {  	_ =	shalt  }
0x48: {  	_ =	shalt  }
0x49: {  	_ =	shalt  }
0x4a: {  	_ =	shalt  }
0x4b: {  	_ =	shalt  }
0x4c: {  	_ =	shalt  }
0x4d: {  	_ =	shalt  }
0x4e: {  	_ =	shalt  }
0x4f: {  	_ =	shalt  }
0x50: {  	_ =	shalt  }
0x51: {  	_ =	shalt  }
0x52: {  	_ =	shalt  }
0x53: {  	_ =	shalt  }
0x54: {  	_ =	shalt  }
0x55: {  	_ =	shalt  }
0x56: {  	_ =	shalt  }
0x57: {  	_ =	shalt  }
0x58: {  	_ =	shalt  }
0x59: {  	_ =	shalt  }
0x5a: {  	_ =	shalt  }
0x5b: {  	_ =	shalt  }
0x5c: {  	_ =	shalt  }
0x5d: {  	_ =	shalt  }
0x5e: {  	_ =	shalt  }
0x5f: {  	_ =	shalt  }
0x60: {  	_ =	shalt  }
0x61: {  	_ =	shalt  }
0x62: {  	_ =	shalt  }
0x63: {  	_ =	shalt  }
0x64: {  	_ =	shalt  }
0x65: {  	_ =	shalt  }
0x66: {  	_ =	shalt  }
0x67: {  	_ =	shalt  }
0x68: {  	_ =	shalt  }
0x69: {  	_ =	shalt  }
0x6a: {  	_ =	shalt  }
0x6b: {  	_ =	shalt  }
0x6c: {  	_ =	shalt  }
0x6d: {  	_ =	shalt  }
0x6e: {  	_ =	shalt  }
0x6f: {  	_ =	shalt  }
0x70: {  	_ =	shalt  }
0x71: {  	_ =	shalt  }
0x72: {  	_ =	shalt  }
0x73: {  	_ =	shalt  }
0x74: {  	_ =	shalt  }
0x75: {  	_ =	shalt  }
0x76: {  	_ =	shalt  }
0x77: {  	_ =	shalt  }
0x78: {  	_ =	shalt  }
0x79: {  	_ =	shalt  }
0x7a: {  	_ =	shalt  }
0x7b: {  	_ =	shalt  }
0x7c: {  	_ =	shalt  }
0x7d: {  	_ =	shalt  }
0x7e: {  	_ =	shalt  }
0x7f: {  	_ =	shalt  }
0x80: {  	_ =	shalt  }
0x81: {  	_ =	shalt  }
0x82: {  	_ =	shalt  }
0x83: {  	_ =	shalt  }
0x84: {  	_ =	shalt  }
0x85: {  	_ =	shalt  }
0x86: {  	_ =	shalt  }
0x87: {  	_ =	shalt  }
.Lfunc_end0:
.L_simem_size_0:
called_computation.3_lowered:
.L_overlay_start_0:
0x88: {  	s2 =	sld [smem:$0x3FD9]  }
0x89: {  	s3 =	sld [smem:$0x3FFE];
	_ =	sdelay $0x1  }
0x8a: {  	s1 =	srdreg.scid  }
0x8b: {  	s0 =	sand.u32 $0x1, s1  }
0x8c: {  	s17 =	sshll.u32 s0, $0xA;
	s2 =	sadd.s32 s3, s2  }
0x8d: {  	s2 =	sadd.s32 s2, s17  }
0x8e: {  	[smem:$0x3FBC] =	sst s2  }
0x8f: {  	_ = 	snop  }
0x90: {  	s2 =	sld [smem:$0x3FD0];
	(tm) =	ssettm $0x1  }
0x91: {  	s18 =	sld [smem:$0x3FFB];
	_ =	sdelay $0x3  }
0x92: {  	_ =	strace s18  }
0x93: {  	s3 =	sld [smem:$0x3FFC];
	_ =	sdelay $0x3  }
0x94: {  	_ =	strace s3  }
0x95: {  	s3 =	sld [smem:$0x3FFD];
	_ =	sdelay $0x3  }
0x96: {  	_ =	strace s3  }
0x97: {  	_ =	strace $0x8FFFFFFF  }
0x98: {  	s19 =	sld [smem:$0x3FDB];
	_ =	sdelay $0x1  }
0x99: {  	s4 =	simm.s32 $_scs_section_size  }
0x9a: {  	s5 =	simm.s32 $_size__tile_overlayer_lowered;
	s6 =	simm.s32 $_tile_overlayer_lowered  }
0x9b: {  	s22 =	simm.s32 $0x1BFF;
	s21 =	sshll.u32 s6, $0x1;
	s3 =	sadd.s32 s4, s19  }
0x9c: {  	s7 =	simm.s32 $0x0;
	s20 =	sshll.u32 s5, $0x1;
	s5 =	sadd.s32 s21, s3  }
0x9d: {  	[timem:s7], [sflag:s22] =	dma.local [hbm:s5], s20  }
0x9e: {  	_ =	swait.ge [sflag:s22], s20  }
0x9f: {  	s4 =	ssub.s32 $0x0, s20;
	[sflag:s22] =	ssyncset.done $0x0  }
0xa0: {  	[sflag:s22] =	ssyncadd.s32 s4;
	_ =	sdelay $0x1  }
0xa1: {  	s23 =	simm.s32 $0x1B8B  }
0xa2: {  	_ =	swait.ge [sflag:s23], $0x1  }
0xa3: {  	[sflag:s23] =	ssyncset.done $0x0  }
0xa4: {  	s25 =	simm.s32 $0x1B8E;
	s24 =	sld [smem:$0x3FFE];
	[sflag:s23] =	ssyncadd.s32 $0xFFFFFFFF  }
0xa5: {  	s26 =	simm.s32 $execute0_lowered;
	[smem:$0x3FD2] =	sst s25  }
0xa6: {  	s5 =	sshll.u32 s26, $0x1;
	_ =	strace $0x8000004F;
	[dreg:$0x1] =	wrdreg $0xFFFFFFFF  }
0xa7: {  	s28 =	simm.s32 $_size_execute0_lowered;
	s3 =	sadd.s32 s3, s5;
	[dreg:$0x0] =	wrdreg $0x0  }
0xa8: {  	s5 =	sshll.u32 s28, $0x1;
	[dreg:$0x2] =	wrdreg s3  }
0xa9: {  	[dreg:$0x3] =	wrdreg s5  }
0xaa: {  	[dreg:$0x4] =	wrdreg $0xC0  }
0xab: {  	_ =	task [dreg:s7], $0x5FFFF  }
0xac: {  	[dreg:$0x1] =	wrdreg $0xFFFFFFFF  }
0xad: {  	[dreg:$0x0] =	wrdreg $0x60  }
0xae: {  	[dreg:$0x2] =	wrdreg s24  }
0xaf: {  	[dreg:$0x3] =	wrdreg s2  }
0xb0: {  	[dreg:$0x4] =	wrdreg $0x6F000  }
0xb1: {  	[dreg:$0x5] =	wrdreg $0x9  }
0xb2: {  	_ =	task.clear_ibuf [dreg:s7], $0x6FFFF;
	_ =	strace $0x9000004F  }
0xb3: {  	s29 =	simm.s32 $0x9;
	_ =	strace $0x80000051  }
0xb4: {  	_ =	swait.ge [sflag:s29], $0x1  }
0xb5: {  	[sflag:s29] =	ssyncadd.s32 $0xFFFFFFFF  }
0xb6: {  	_ =	strace $0x90000051  }
0xb7: {  	_ =	sfence  }
0xb8: {  	s30 =	sld [smem:$0x0];
	_ =	sdelay $0x2  }
0xb9: {  	s31 =	sshll.u32 s1, $0xD;
	s1 =	sshrl.u32 s1, $0x2  }
0xba: {  	s3 =	sand.u32 $0x4000, s31;
	s1 =	sadd.s32 s1, s30  }
0xbb: {  	s0 =	sor.u32 s3, s0;
	s1 =	sshll.u32 s1, $0x11  }
0xbc: {  	s0 =	sor.u32 s1, s0  }
0xbd: {  	s0 =	sadd.s32 $0x8F2B, s0  }
0xbe: {  	[sflag:s0] =	ssyncadd.remote.s32 $0x1  }
0xbf: {  	_ =	sfence.sel $0xFFFF  }
0xc0: {  	[dreg:$0x0] =	wrdreg $0xFFFFFFFF;
	(pc) =	sbr.abs _section_cstart, $3  }
0xc1: {  	[dreg:$0x1] =	wrdreg $0xFFFFFFFF  }
0xc2: {  	_ =	task.clear_ibuf [dreg:s7], $0x2FFFF;
	_ =	strace $0x9FFFFFFF  }
0xc3: {  	(tm) =	ssettm $0x7FFFFFFF  }
tec
execute0_lowered:
.L_overlay_start_1:
0x0: {  	(tag) =	ssettag $0x1  }
0x1: {  	s6 =	rddreg [dreg:$0x0]  }
0x2: {  	s2 =	rddreg [dreg:$0x1]  }
0x3: {  	s0 =	srdreg.scid;
	s3 =	rddreg [dreg:$0x2]  }
0x4: {  	s1 =	stileid.u32;
	s4 =	simm.s32 $0x0;
	s14 =	simm.s32 $0x80  }
0x5: {  	s15 =	simm.s32 $0x4F00;
	s16 =	simm.s32 $0x1;
	s17 =	simm.s32 $0x0  }
0x6: {  	s5 =	sand.u32 $0x1, s0;
	s0 =	rddreg [dreg:$0x3];
	s8 =	smul.u32 $0x9E00, s1  }
0x7: {  	[smem:$0x7FF] =	sst s4;
	s31 =	sshll.u32 s1, $0x6;
	s7 =	sshll.u32 s5, $0x4  }
0x8: {  	s9 =	smul.u32 $0x9E000, s5;
	_ =	strace $0x80000050;
	s7 =	sor.u32 s1, s7  }
0x9: {  	s29 =	ssub.s32 $0x2, s5;
	s5 =	sadd.s32 $0xCC00, s6;
	s7 =	smul.u32 $0x4F0, s7  }
0xa: {  	s30 =	sshrl.u32 s29, $0x1;
	s13 =	sadd.s32 s8, s3;
	s9 =	sadd.s32 s8, s9  }
0xb: {  	s12 =	ssub.s32 s29, s30;
	s28 =	sshrl.u32 s9, $0x3;
	s10 =	sadd.s32 s7, s6  }
0xc: {  	s11 =	sadd.s32 s28, s6;
	s6 =	sor.u32 $0x1C02, s31;
	s7 =	sadd.s32 $0x97400, s10  }
0xd: {  	s8 =	sadd.s32 $0x2E00, s10;
	s9 =	sadd.s32 $0xE000, s11;
	s10 =	smax.u32 s12, $0x1  }
0xe: {  	s11 =	sshrl.u32 s13, $0x3;
	s12 =	simm.s32 $0x2;
	s13 =	simm.s32 $0x2780  }
.LBB2_1:
0xf: {  	[spmem:s11], [sflag:s6] =	dma.local [hbm:s5], $0x13C0  }
0x10: {  	_ =	swait.ge [sflag:s12], $0x13C0  }
0x11: {  	[sflag:s12] =	ssyncset.done $0x0  }
0x12: {  	[sflag:s12] =	ssyncadd.s32 $0xFFFFEC40  }
0x13: {  	[tilespmem:s4], [sflag:$0x2] =	stream.linear.gather [hbm4b:s7+s4], $0x2780, $0x38;
	[tilespmem:$0x10D00] =	vst v63  }
0x14: {  	_ =	swait.ge [sflag:s12], $0x2780  }
0x15: {  	[sflag:s12] =	ssyncset.done $0x0  }
0x16: {  	[sflag:s12] =	ssyncadd.s32 $0xFFFFD880  }
0x17: {  	[tilespmem:s13], [sflag:$0x2] =	stream.linear.gather [hbm4b:s8+s4], $0x2780, $0x38;
	[tilespmem:$0x10D00] =	vst v63  }
0x18: {  	_ =	swait.ge [sflag:s12], $0x2780  }
0x19: {  	[sflag:s12] =	ssyncset.done $0x0  }
0x1a: {  	[sflag:s12] =	ssyncadd.s32 $0xFFFFD880  }
0x1b: {  	s18 =	simm.s32 $0x0;
	[bflag:$0x0] =	sbarrier.arrive $0xFFFF  }
0x1c: {  	[tilespmem:s15], [sflag:$0x1] =	stream.indirect.gather [hbm4b:s2+s14], $0x40, s18, s14, $0xb8;
	[tilespmem:$0x10D00] =	vst v63  }
0x1d: {  	_ =	swait.ge [sflag:s16], $0x2000  }
0x1e: {  	[sflag:s16] =	ssyncset.done $0x0  }
0x1f: {  	s31 =	simm.s32 $0x2780;
	[sflag:s16] =	ssyncadd.s32 $0xFFFFE000  }
0x20: {  	[spmem:s3] =	stream.indirect.scatter.add.f32 [tilespmem:s15], [sflag:$0x2], $0x40, s31, s14, $0xb8;
	[tilespmem:$0x10D00] =	vst v63  }
0x21: {  	_ =	swait.ge [sflag:s12], $0x2000  }
0x22: {  	s19 =	simm.s32 $0x400;
	s18 =	simm.s32 $0x200;
	[sflag:s12] =	ssyncset.done $0x0  }
.LBB2_2:
0x23: {  	s20 =	sshra.s32 s18, $0x2  }
0x24: {  	[sflag:s12] =	ssyncadd.s32 $0xFFFFE000;
	s18 =	smov.u32 s19;
	s21 =	sadd.s32 $0x200, s19  }
0x25: {  	[tilespmem:s15], [sflag:$0x1] =	stream.indirect.gather [hbm4b:s2+s14], $0x40, s20, s14, $0xb8;
	[tilespmem:$0x10D00] =	vst v63  }
0x26: {  	p0 =	sne.s32 s19, $0x9C00;
	_ =	swait.ge [sflag:s16], $0x2000  }
.Ltmp0:
0x27: {  	[sflag:s16] =	ssyncset.done $0x0;
	(pc) =	sbr.rel @p0 .LBB2_2-.Ltmp0, $4  }
0x28: {  	s19 =	sadd.s32 $0x2780, s20;
	[sflag:s16] =	ssyncadd.s32 $0xFFFFE000  }
0x29: {  	[spmem:s3] =	stream.indirect.scatter.add.f32 [tilespmem:s15], [sflag:$0x2], $0x40, s19, s14, $0xb8;
	[tilespmem:$0x10D00] =	vst v63  }
0x2a: {  	_ =	swait.ge [sflag:s12], $0x2000  }
0x2b: {  	s19 =	smov.u32 s21;
	[sflag:s12] =	ssyncset.done $0x0  }
0x2c: {  	s18 =	sshra.s32 s18, $0x2;
	[sflag:s12] =	ssyncadd.s32 $0xFFFFE000  }
0x2d: {  	[tilespmem:s15], [sflag:$0x1] =	stream.indirect.gather [hbm4b:s2+s14], $0x40, s18, s14, $0xb8;
	[tilespmem:$0x10D00] =	vst v63  }
0x2e: {  	_ =	swait.ge [sflag:s16], $0x2000  }
0x2f: {  	[sflag:s16] =	ssyncset.done $0x0  }
0x30: {  	s18 =	sadd.s32 $0x2780, s18;
	[sflag:s16] =	ssyncadd.s32 $0xFFFFE000  }
0x31: {  	[spmem:s3] =	stream.indirect.scatter.add.f32 [tilespmem:s15], [sflag:$0x2], $0x40, s18, s14, $0xb8;
	[tilespmem:$0x10D00] =	vst v63  }
0x32: {  	_ =	swait.ge [sflag:s12], $0x2000  }
0x33: {  	s17 =	sadd.s32 $0x1, s17;
	[sflag:s12] =	ssyncset.done $0x0  }
0x34: {  	p0 =	sne.s32 s17, s10;
	[sflag:s12] =	ssyncadd.s32 $0xFFFFE000  }
.Ltmp1:
0x35: {  	[bflag:$0x0] =	sbarrier.arrive $0xFFFF;
	(pc) =	sbr.rel @p0 .LBB2_1-.Ltmp1, $4  }
0x36: {  	[hbm:s9], [sflag:s6] =	dma.local [spmem:s11], $0x13C0  }
0x37: {  	_ =	swait.ge [sflag:s12], $0x13C0  }
0x38: {  	[sflag:s12] =	ssyncset.done $0x0  }
0x39: {  	[sflag:s12] =	ssyncadd.s32 $0xFFFFEC40  }
0x3a: {  	_ =	sfence.sel $0x180000  }
0x3b: {  	[bflag:$0x0] =	sbarrier.arrive $0xFFFF  }
0x3c: {  	p0 =	sne.s32 s1, $0x0;
	_ =	strace $0x90000050  }
0x3d: {  	s0 =	sadd.s32 @!p0 $0x100000, s0;
	[bflag:$0x2] =	sbarrier.arrive $0xFFFF  }
0x3e: {  	[sflag:s0] =	ssyncadd.tile.s32 @!p0 $0x1;
	_ =	shalt  }
.Lfunc_end2:
_tile_overlayer_lowered:
.L_overlay_start_2:
0x3f: {  	(tag) =	ssettag $0x2  }
0x40: {  	s0 =	rddreg [dreg:$0x0];
	s2 =	stileid.u32  }
0x41: {  	s1 =	rddreg [dreg:$0x1];
	p0 =	sne.s32 s2, $0x0  }
0x42: {  	s3 =	rddreg [dreg:$0x2];
	[bflag:$0x3] =	sbarrier.arrive $0xFFFF;
	s2 =	simm.s32 @!p0 $0x1C02  }
0x43: {  	[timem:s3], [sflag:s2] =	dma.local @!p0 [hbm:s0], s1  }
0x44: {  	s0 =	simm.s32 @!p0 $0x2  }
0x45: {  	_ =	swait.ge @!p0 [sflag:s0], s1  }
0x46: {  	s1 =	ssub.s32 @!p0 $0x0, s1;
	[sflag:s0] =	ssyncset.done @!p0 $0x0  }
0x47: {  	[sflag:s0] =	ssyncadd.s32 @!p0 s1  }
0x48: {  	[bflag:$0x3] =	sbarrier.arrive $0xFFFF  }
0x49: {  	_ =	shalt  }

</sc_bundles>
